<compile_context>
chip_gen: v7x
topology: tpu7x:2x2x1
jax: 0.10.2.dev20260603
libtpu: 0.0.44.dev20260713+nightly
codegen_flags: <defaults>
</compile_context>

<pallas_src>
import functools

import jax
import jax.numpy as jnp
from jax.experimental import pallas as pl
from jax.experimental.pallas import tpu as pltpu

_LANES = 128


def _nms_match_kernel(box_smem, x1_ref, y1_ref, x2_ref, y2_ref, area_ref,
                      score_ref, thr_ref, match_ref, *, rows, total):
    iou_thr = thr_ref[0, 0]
    score_thr = thr_ref[0, 1]

    x1 = x1_ref[...]
    y1 = y1_ref[...]
    x2 = x2_ref[...]
    y2 = y2_ref[...]
    area = area_ref[...]

    idx = (jax.lax.broadcasted_iota(jnp.int32, (rows, _LANES), 0) * _LANES
           + jax.lax.broadcasted_iota(jnp.int32, (rows, _LANES), 1))
    idx_f = idx.astype(jnp.float32)
    big_f = jnp.float32(total)

    valid = score_ref[...] > score_thr
    match_ref[...] = jnp.where(valid, jnp.int32(-1), jnp.int32(-2))

    def first_unmatched():
        cand = jnp.where(match_ref[...] == -1, idx_f, big_f)
        return jnp.min(cand).astype(jnp.int32)

    def body(r):
        r4 = r * 4
        bx1 = box_smem[r4]
        by1 = box_smem[r4 + 1]
        bx2 = box_smem[r4 + 2]
        by2 = box_smem[r4 + 3]
        barea = (bx2 - bx1) * (by2 - by1)

        ix1 = jnp.maximum(bx1, x1)
        iy1 = jnp.maximum(by1, y1)
        ix2 = jnp.minimum(bx2, x2)
        iy2 = jnp.minimum(by2, y2)
        inter = (jnp.maximum(ix2 - ix1, 0.0) * jnp.maximum(iy2 - iy1, 0.0))
        iou = inter / (barea + area - inter + 1e-10)

        m = match_ref[...]
        members = (m == -1) & (iou > iou_thr)
        m = jnp.where(members, r, m)
        match_ref[...] = m
        cand = jnp.where(m == -1, idx_f, big_f)
        return jnp.min(cand).astype(jnp.int32)

    jax.lax.while_loop(lambda r: r < total, body, first_unmatched())


def _nms_match_sorted(box_packed, sx1, sy1, sx2, sy2, sarea, sscore, thr,
                      rows):
    total = rows * _LANES
    kern = functools.partial(_nms_match_kernel, rows=rows, total=total)
    return pl.pallas_call(
        kern,
        in_specs=[
            pl.BlockSpec(memory_space=pltpu.SMEM),
            pl.BlockSpec(memory_space=pltpu.VMEM),
            pl.BlockSpec(memory_space=pltpu.VMEM),
            pl.BlockSpec(memory_space=pltpu.VMEM),
            pl.BlockSpec(memory_space=pltpu.VMEM),
            pl.BlockSpec(memory_space=pltpu.VMEM),
            pl.BlockSpec(memory_space=pltpu.VMEM),
            pl.BlockSpec(memory_space=pltpu.SMEM),
        ],
        out_shape=jax.ShapeDtypeStruct((rows, _LANES), jnp.int32),
    )(box_packed, sx1, sy1, sx2, sy2, sarea, sscore, thr)


def kernel(boxes, scores, iou_threshold, score_threshold):
    B, C, n = scores.shape
    n_idx = jnp.arange(n, dtype=jnp.int32)
    rows = -(-n // _LANES)
    total = rows * _LANES
    pad = total - n

    thr = jnp.stack([iou_threshold[0], score_threshold[0]]).reshape(1, 2)

    out_rows = []
    for b in range(B):
        bx = boxes[b]
        for c in range(C):
            sc = scores[b, c]
            order = jnp.argsort(-sc)
            sb = bx[order]
            ss = sc[order]
            sx1 = jnp.pad(sb[:, 0], (0, pad)).reshape(rows, _LANES)
            sy1 = jnp.pad(sb[:, 1], (0, pad)).reshape(rows, _LANES)
            sx2 = jnp.pad(sb[:, 2], (0, pad)).reshape(rows, _LANES)
            sy2 = jnp.pad(sb[:, 3], (0, pad)).reshape(rows, _LANES)
            sarea = (sx2 - sx1) * (sy2 - sy1)
            ss_p = jnp.pad(ss, (0, pad), constant_values=-jnp.inf).reshape(
                rows, _LANES)
            box_packed = jnp.pad(sb, ((0, pad), (0, 0))).reshape(-1)

            msorted = _nms_match_sorted(box_packed, sx1, sy1, sx2, sy2, sarea,
                                        ss_p, thr, rows).reshape(-1)[:n]

            keeper_orig = jnp.where(
                msorted >= 0,
                order[jnp.clip(msorted, 0, n - 1)].astype(jnp.int32),
                msorted)
            match_to = jnp.zeros(n, jnp.int32).at[order].set(keeper_orig)

            valid_pair = (match_to >= 0) & (match_to != n_idx)
            rows_out = jnp.stack([
                jnp.full((n,), b, dtype=jnp.int32),
                jnp.full((n,), c, dtype=jnp.int32),
                match_to,
                n_idx,
            ], axis=1)
            out_rows.append(
                jnp.where(valid_pair[:, None], rows_out, jnp.int32(-1)))
    return jnp.concatenate(out_rows, axis=0)

# --- scband reference (transcript-rebuilt; emitter-appended) ---
"""Pipeline reference for scband-test-onnx-match-17179869184125 (READ-ONLY COPY).

The authoritative reference and input builder live on the scoring server;
editing this copy changes nothing except your own understanding.
"""

import jax, jax.numpy as jnp
import numpy as np

N = 20000

def setup_inputs(seed: int = 0) -> dict:
    key = jax.random.key(seed)
    k1, k2, k3 = jax.random.split(key, 3)
    # Construct valid boxes (x1 < x2, y1 < y2) inside a 512x512 image
    xy = jax.random.uniform(k1, (1, N, 2), dtype=jnp.float32) * 512.0
    wh = jax.random.uniform(k2, (1, N, 2), dtype=jnp.float32) * 100.0 + 1.0
    boxes = jnp.concatenate([xy, xy + wh], axis=-1)
    scores = jax.random.uniform(k3, (1, 1, N), dtype=jnp.float32)
    return {
        'boxes': boxes,
        'scores': scores,
        'iou_threshold': jnp.array([0.1], dtype=jnp.float32),
        'score_threshold': jnp.array([0.1], dtype=jnp.float32),
    }

def _iou_row(box, boxes):
    x1 = jnp.maximum(box[0], boxes[:, 0])
    y1 = jnp.maximum(box[1], boxes[:, 1])
    x2 = jnp.minimum(box[2], boxes[:, 2])
    y2 = jnp.minimum(box[3], boxes[:, 3])
    inter = jnp.clip(x2 - x1, 0.0) * jnp.clip(y2 - y1, 0.0)
    area_a = (box[2] - box[0]) * (box[3] - box[1])
    area_b = (boxes[:, 2] - boxes[:, 0]) * (boxes[:, 3] - boxes[:, 1])
    return inter / (area_a + area_b - inter + 1e-10)

def _nms_match_single(boxes_b, scores_bc, iou_thr, score_thr):
    # Greedy NMS-match (mmcv nms_match semantics): iterate boxes in descending
    # score order; each unsuppressed box becomes a keeper and all remaining
    # boxes with IoU > iou_thr are matched to it. Boxes with score <=
    # score_thr are excluded. match_to[n] = keeper index, -2 = invalid.
    n = boxes_b.shape[0]
    order = jnp.argsort(-scores_bc)
    valid = scores_bc > score_thr
    match_to0 = jnp.where(valid, jnp.int32(-1), jnp.int32(-2))
    def body(i, match_to):
        idx = order[i]
        is_keeper = match_to[idx] == -1
        iou = _iou_row(boxes_b[idx], boxes_b)
        members = (match_to == -1) & (iou > iou_thr)
        new = jnp.where(members, idx.astype(jnp.int32), match_to)
        return jnp.where(is_keeper, new, match_to)
    return jax.lax.fori_loop(0, n, body, match_to0)

def reference(boxes, scores, iou_threshold, score_threshold):
    # Faithful translation of ONNXNMSMatchOp: per (batch, class), run greedy
    # nms_match and emit match pairs [batch_id, cls_id, keeper_idx, matched_idx]
    # (keeper itself excluded, like match[1:] in the original). Output is a
    # fixed-shape [B*C*N, 4] int32 tensor, invalid rows padded with -1 so the
    # shape is static under jax.
    B, C, n = scores.shape
    iou_thr = iou_threshold[0]
    score_thr = score_threshold[0]
    n_idx = jnp.arange(n, dtype=jnp.int32)
    out_rows = []
    for b in range(B):
        for c in range(C):
            match_to = _nms_match_single(boxes[b], scores[b, c], iou_thr, score_thr).astype(jnp.int32)
            valid_pair = (match_to >= 0) & (match_to != n_idx)
            rows = jnp.stack([
                jnp.full((n,), b, dtype=jnp.int32),
                jnp.full((n,), c, dtype=jnp.int32),
                match_to,
                n_idx,
            ], axis=1)
            rows = jnp.where(valid_pair[:, None], rows, jnp.int32(-1))
            out_rows.append(rows)
    return jnp.concatenate(out_rows, axis=0)

if __name__ == "__main__":
    import jax
    _d = setup_inputs()
    print(jax.jit(kernel)(*tuple(_d.values())))

</pallas_src>

<mosaic_0001>
module attributes {stable_mosaic.version = 14 : i64} {
  func.func @_nms_match_kernel(%arg0: memref<80384xf32, #tpu.memory_space<smem>>, %arg1: memref<157x128xf32, #tpu.memory_space<vmem>>, %arg2: memref<157x128xf32, #tpu.memory_space<vmem>>, %arg3: memref<157x128xf32, #tpu.memory_space<vmem>>, %arg4: memref<157x128xf32, #tpu.memory_space<vmem>>, %arg5: memref<157x128xf32, #tpu.memory_space<vmem>>, %arg6: memref<157x128xf32, #tpu.memory_space<vmem>>, %arg7: memref<1x2xf32, #tpu.memory_space<smem>>, %arg8: memref<157x128xi32, #tpu.memory_space<vmem>>) attributes {dimension_semantics = [], scalar_prefetch = 0 : i64, scratch_operands = 0 : i64, tpu.core_type = #tpu.core_type<tc>} {
    %get3A = arith.constant 0 : index
    %get3A_0 = arith.constant 0 : index
    %get3A_1 = memref.load %arg7[%get3A, %get3A_0] : memref<1x2xf32, #tpu.memory_space<smem>>
    %get3A_2 = arith.constant 0 : index
    %get3A_3 = arith.constant 1 : index
    %get3A_4 = memref.load %arg7[%get3A_2, %get3A_3] : memref<1x2xf32, #tpu.memory_space<smem>>
    %get3A_5 = arith.constant 0 : index
    %get3A_6 = arith.constant 0 : index
    %get3A_7 = vector.load %arg1[%get3A_5, %get3A_6] : memref<157x128xf32, #tpu.memory_space<vmem>>, vector<157x128xf32>
    %get3A_8 = arith.constant 0 : index
    %get3A_9 = arith.constant 0 : index
    %get3A_10 = vector.load %arg2[%get3A_8, %get3A_9] : memref<157x128xf32, #tpu.memory_space<vmem>>, vector<157x128xf32>
    %get3A_11 = arith.constant 0 : index
    %get3A_12 = arith.constant 0 : index
    %get3A_13 = vector.load %arg3[%get3A_11, %get3A_12] : memref<157x128xf32, #tpu.memory_space<vmem>>, vector<157x128xf32>
    %get3A_14 = arith.constant 0 : index
    %get3A_15 = arith.constant 0 : index
    %get3A_16 = vector.load %arg4[%get3A_14, %get3A_15] : memref<157x128xf32, #tpu.memory_space<vmem>>, vector<157x128xf32>
    %get3A_17 = arith.constant 0 : index
    %get3A_18 = arith.constant 0 : index
    %get3A_19 = vector.load %arg5[%get3A_17, %get3A_18] : memref<157x128xf32, #tpu.memory_space<vmem>>, vector<157x128xf32>
    %iota3A = tpu.iota {dimensions = array<i32: 0>} : vector<157x128xi32>
    %mul3A = arith.constant 128 : i32
    %mul3A_20 = vector.broadcast %mul3A : i32 to vector<157x128xi32>
    %mul3A_21 = arith.muli %iota3A, %mul3A_20 : vector<157x128xi32>
    %iota3A_22 = tpu.iota {dimensions = array<i32: 1>} : vector<157x128xi32>
    %add3A = arith.addi %mul3A_21, %iota3A_22 : vector<157x128xi32>
    %convert_element_type3A = arith.sitofp %add3A : vector<157x128xi32> to vector<157x128xf32>
    %get3A_23 = arith.constant 0 : index
    %get3A_24 = arith.constant 0 : index
    %get3A_25 = vector.load %arg6[%get3A_23, %get3A_24] : memref<157x128xf32, #tpu.memory_space<vmem>>, vector<157x128xf32>
    %gt3A = vector.broadcast %get3A_4 : f32 to vector<157x128xf32>
    %gt3A_26 = arith.cmpf ogt, %get3A_25, %gt3A : vector<157x128xf32>
    %jit3A = arith.constant -1 : i32
    %jit3A_27 = arith.constant -2 : i32
    %broadcast_in_dim3A = vector.broadcast %jit3A : i32 to vector<157x128xi32>
    %broadcast_in_dim3A_28 = vector.broadcast %jit3A_27 : i32 to vector<157x128xi32>
    %select_n3A = arith.select %gt3A_26, %broadcast_in_dim3A, %broadcast_in_dim3A_28 : vector<157x128xi1>, vector<157x128xi32>
    %swap3A = arith.constant 0 : index
    %swap3A_29 = arith.constant 0 : index
    %swap3A_30 = vector.load %arg8[%swap3A, %swap3A_29] : memref<157x128xi32, #tpu.memory_space<vmem>>, vector<157x128xi32>
    tpu.vector_store %arg8[%swap3A, %swap3A_29], %select_n3A {strides = array<i32>} : memref<157x128xi32, #tpu.memory_space<vmem>>, vector<157x128xi32>,
    %get3A_31 = arith.constant 0 : index
    %get3A_32 = arith.constant 0 : index
    %get3A_33 = vector.load %arg8[%get3A_31, %get3A_32] : memref<157x128xi32, #tpu.memory_space<vmem>>, vector<157x128xi32>
    %eq3A = arith.constant -1 : i32
    %eq3A_34 = vector.broadcast %eq3A : i32 to vector<157x128xi32>
    %eq3A_35 = arith.cmpi eq, %get3A_33, %eq3A_34 : vector<157x128xi32>
    %jit3A_36 = arith.constant 2.009600e+04 : f32
    %broadcast_in_dim3A_37 = vector.broadcast %jit3A_36 : f32 to vector<157x128xf32>
    %select_n3A_38 = arith.select %eq3A_35, %convert_element_type3A, %broadcast_in_dim3A_37 : vector<157x128xi1>, vector<157x128xf32>
    %reduce_min3A = vector.shape_cast %select_n3A_38 : vector<157x128xf32> to vector<1x157x128xf32>
    %reduce_min3A_39 = arith.constant dense<0x7F800000> : vector<1xf32>
    %reduce_min3A_40 = vector.multi_reduction <minimumf>, %reduce_min3A, %reduce_min3A_39 [1, 2] : vector<1x157x128xf32> to vector<1xf32>
    %reduce_min3A_41 = vector.shape_cast %reduce_min3A_40 : vector<1xf32> to vector<1x1x1xf32>
    %reduce_min3A_42 = vector.extract %reduce_min3A_41[0, 0, 0] : f32 from vector<1x1x1xf32>
    %convert_element_type3A_43 = arith.fptosi %reduce_min3A_42 : f32 to i32
    %while3A = arith.constant 2.009600e+04 : f32
    %while3A_44 = scf.while (%while3A_45 = %convert_element_type3A_43) : (i32) -> i32 {
      %lt3A = arith.constant 20096 : i32
      %lt3A_46 = arith.cmpi slt, %while3A_45, %lt3A : i32
      scf.condition(%lt3A_46) %while3A_45 : i32
    } do {
    ^bb0(%while3A_45: i32):
      %mul3A_46 = arith.constant 4 : i32
      %mul3A_47 = arith.muli %while3A_45, %mul3A_46 : i32
      %get3A_48 = arith.index_cast %mul3A_47 : i32 to index
      %get3A_49 = memref.load %arg0[%get3A_48] : memref<80384xf32, #tpu.memory_space<smem>>
      %add3A_50 = arith.constant 1 : i32
      %add3A_51 = arith.addi %mul3A_47, %add3A_50 : i32
      %get3A_52 = arith.index_cast %add3A_51 : i32 to index
      %get3A_53 = memref.load %arg0[%get3A_52] : memref<80384xf32, #tpu.memory_space<smem>>
      %add3A_54 = arith.constant 2 : i32
      %add3A_55 = arith.addi %mul3A_47, %add3A_54 : i32
      %get3A_56 = arith.index_cast %add3A_55 : i32 to index
      %get3A_57 = memref.load %arg0[%get3A_56] : memref<80384xf32, #tpu.memory_space<smem>>
      %add3A_58 = arith.constant 3 : i32
      %add3A_59 = arith.addi %mul3A_47, %add3A_58 : i32
      %get3A_60 = arith.index_cast %add3A_59 : i32 to index
      %get3A_61 = memref.load %arg0[%get3A_60] : memref<80384xf32, #tpu.memory_space<smem>>
      %sub3A = arith.subf %get3A_57, %get3A_49 : f32
      %sub3A_62 = arith.subf %get3A_61, %get3A_53 : f32
      %mul3A_63 = arith.mulf %sub3A, %sub3A_62 : f32
      %max3A = vector.broadcast %get3A_49 : f32 to vector<157x128xf32>
      %max3A_64 = arith.maximumf %max3A, %get3A_7 : vector<157x128xf32>
      %max3A_65 = vector.broadcast %get3A_53 : f32 to vector<157x128xf32>
      %max3A_66 = arith.maximumf %max3A_65, %get3A_10 : vector<157x128xf32>
      %min3A = vector.broadcast %get3A_57 : f32 to vector<157x128xf32>
      %min3A_67 = arith.minimumf %min3A, %get3A_13 : vector<157x128xf32>
      %min3A_68 = vector.broadcast %get3A_61 : f32 to vector<157x128xf32>
      %min3A_69 = arith.minimumf %min3A_68, %get3A_16 : vector<157x128xf32>
      %sub3A_70 = arith.subf %min3A_67, %max3A_64 : vector<157x128xf32>
      %max3A_71 = arith.constant 0.000000e+00 : f32
      %max3A_72 = vector.broadcast %max3A_71 : f32 to vector<157x128xf32>
      %max3A_73 = arith.maximumf %sub3A_70, %max3A_72 : vector<157x128xf32>
      %sub3A_74 = arith.subf %min3A_69, %max3A_66 : vector<157x128xf32>
      %max3A_75 = arith.constant 0.000000e+00 : f32
      %max3A_76 = vector.broadcast %max3A_75 : f32 to vector<157x128xf32>
      %max3A_77 = arith.maximumf %sub3A_74, %max3A_76 : vector<157x128xf32>
      %mul3A_78 = arith.mulf %max3A_73, %max3A_77 : vector<157x128xf32>
      %add3A_79 = vector.broadcast %mul3A_63 : f32 to vector<157x128xf32>
      %add3A_80 = arith.addf %add3A_79, %get3A_19 : vector<157x128xf32>
      %sub3A_81 = arith.subf %add3A_80, %mul3A_78 : vector<157x128xf32>
      %add3A_82 = arith.constant 1.000000e-10 : f32
      %add3A_83 = vector.broadcast %add3A_82 : f32 to vector<157x128xf32>
      %add3A_84 = arith.addf %sub3A_81, %add3A_83 : vector<157x128xf32>
      %div3A = arith.divf %mul3A_78, %add3A_84 : vector<157x128xf32>
      %get3A_85 = arith.constant 0 : index
      %get3A_86 = arith.constant 0 : index
      %get3A_87 = vector.load %arg8[%get3A_85, %get3A_86] : memref<157x128xi32, #tpu.memory_space<vmem>>, vector<157x128xi32>
      %eq3A_88 = arith.constant -1 : i32
      %eq3A_89 = vector.broadcast %eq3A_88 : i32 to vector<157x128xi32>
      %eq3A_90 = arith.cmpi eq, %get3A_87, %eq3A_89 : vector<157x128xi32>
      %gt3A_91 = vector.broadcast %get3A_1 : f32 to vector<157x128xf32>
      %gt3A_92 = arith.cmpf ogt, %div3A, %gt3A_91 : vector<157x128xf32>
      %and3A = arith.andi %eq3A_90, %gt3A_92 : vector<157x128xi1>
      %broadcast_in_dim3A_93 = vector.broadcast %while3A_45 : i32 to vector<157x128xi32>
      %select_n3A_94 = arith.select %and3A, %broadcast_in_dim3A_93, %get3A_87 : vector<157x128xi1>, vector<157x128xi32>
      %swap3A_95 = arith.constant 0 : index
      %swap3A_96 = arith.constant 0 : index
      %swap3A_97 = vector.load %arg8[%swap3A_95, %swap3A_96] : memref<157x128xi32, #tpu.memory_space<vmem>>, vector<157x128xi32>
      tpu.vector_store %arg8[%swap3A_95, %swap3A_96], %select_n3A_94 {strides = array<i32>} : memref<157x128xi32, #tpu.memory_space<vmem>>, vector<157x128xi32>,
      %eq3A_98 = arith.constant -1 : i32
      %eq3A_99 = vector.broadcast %eq3A_98 : i32 to vector<157x128xi32>
      %eq3A_100 = arith.cmpi eq, %select_n3A_94, %eq3A_99 : vector<157x128xi32>
      %broadcast_in_dim3A_101 = vector.broadcast %while3A : f32 to vector<157x128xf32>
      %select_n3A_102 = arith.select %eq3A_100, %convert_element_type3A, %broadcast_in_dim3A_101 : vector<157x128xi1>, vector<157x128xf32>
      %reduce_min3A_103 = vector.shape_cast %select_n3A_102 : vector<157x128xf32> to vector<1x157x128xf32>
      %reduce_min3A_104 = arith.constant dense<0x7F800000> : vector<1xf32>
      %reduce_min3A_105 = vector.multi_reduction <minimumf>, %reduce_min3A_103, %reduce_min3A_104 [1, 2] : vector<1x157x128xf32> to vector<1xf32>
      %reduce_min3A_106 = vector.shape_cast %reduce_min3A_105 : vector<1xf32> to vector<1x1x1xf32>
      %reduce_min3A_107 = vector.extract %reduce_min3A_106[0, 0, 0] : f32 from vector<1x1x1xf32>
      %convert_element_type3A_108 = arith.fptosi %reduce_min3A_107 : f32 to i32
      scf.yield %convert_element_type3A_108 : i32
    }
    return
  }
}

</mosaic_0001>

<sc_bundles>
// kernel: gather_offload_async_start.1
scs
__scs_entry_jumppad:
0x0: {  	(pc) =	sbr.rel $0x88, $3  }
0x1: {  	(tag) =	ssettag $0x0;
	lr =	simm.s32 $0x1  }
0x2: {  	[smem:$0x3F9D] =	sst lr;
	_ =	strace $0xD0000000  }
0x3: {  	_ = 	snop  }
0x4: {  	_ = 	snop  }
0x5: {  	_ = 	snop  }
0x6: {  	_ = 	snop  }
0x7: {  	_ = 	snop  }
__scs_overlays_trampoline_lowered:
0x8: {  	[smem:$0x3FAC] =	sst s0  }
0x9: {  	[smem:$0x3FAD] =	sst s1  }
0xa: {  	[smem:$0x3FAE] =	sst s2  }
0xb: {  	[smem:$0x3FAF] =	sst s3  }
0xc: {  	[smem:$0x3FB0] =	sst s4  }
0xd: {  	[smem:$0x3FB1] =	sst s5  }
0xe: {  	[smem:$0x3FB2] =	sst s6  }
0xf: {  	[smem:$0x3FB3] =	sst s7  }
0x10: {  	[smem:$0x3FB4] =	sst s8  }
0x11: {  	[smem:$0x3FB5] =	sst s9;
	s0 =	simm.s32 @!p0 $0x0  }
0x12: {  	s1 =	sld [smem:$0x3F9B];
	s0 =	simm.s32 @p0 $0x1  }
0x13: {  	[smem:$0x3FB6] =	sst s0;
	s0 =	simm.s32 @!p1 $0x0  }
0x14: {  	s2 =	sld [smem:$0x3F9A];
	s0 =	simm.s32 @p1 $0x1  }
0x15: {  	[smem:$0x3FB7] =	sst s0;
	s0 =	simm.s32 @!p2 $0x0  }
0x16: {  	s3 =	sld [smem:$0x3FDB];
	s0 =	simm.s32 @p2 $0x1  }
0x17: {  	s4 =	simm.s32 $0x1BF5;
	[smem:$0x3FB9] =	sst s0  }
0x18: {  	s0 =	sld [smem:$0x3F9C];
	_ =	swait.ge [sflag:s4], $0x0  }
0x19: {  	s7 =	sld [smem:$0x3F9D]  }
0x1a: {  	s8 =	sadd.s32 $0xFFFFE003, lr  }
0x1b: {  	s9 =	sadd.s32 $0xFFFFFEF7, lr;
	s5 =	simm.s32 $0xFFFFFFFF;
	p2 =	slt.u32 s8, $0xFFFFF086  }
0x1c: {  	p1 =	slt.u32 s9, $0xF7A;
	s5 =	simm.s32 @!p2 $0x0  }
0x1d: {  	s5 =	simm.s32 @p1 $0x1;
	p0 =	seq.s32 s7, s2  }
0x1e: {  	s7 =	smul.u32 @!p0 $0xF7A, s2;
	p2 =	seq.s32 @!p0 s5, $0x0  }
0x1f: {  	s9 =	smul.u32 $0xF7A, s1;
	s8 =	simm.s32 @!p0 $0x1BF5;
	p2 =	por !p2, p0  }
0x20: {  	[sflag:s8] =	ssyncset.s32 @!p0 $0xFFFFF086;
	s6 =	sadd.s32 @!p0 s3, s7;
	s7 =	simm.s32 @!p0 $0x108  }
0x21: {  	s3 =	sadd.s32 s3, s9;
	s6 =	sadd.s32 @!p0 $0x88, s6;
	s7 =	simm.s32 @p2 $0x1082  }
0x22: {  	[simem:s7], [sflag:s8] =	dma.local @!p0 [hbm:s6], $0xF7A  }
0x23: {  	s9 =	sor.u32 $0xD0000000, s2;
	s6 =	simm.s32 $0x108;
	_ =	swait.ge @!p0 [sflag:s8], $0x0  }
0x24: {  	s3 =	sadd.s32 $0x88, s3;
	s6 =	simm.s32 @!p1 $0x1082;
	[sflag:s4] =	ssyncset.s32 $0xFFFFF086  }
0x25: {  	[simem:s6], [sflag:s4] =	dma.local [hbm:s3], $0xF7A  }
0x26: {  	[smem:$0x3F9D] =	sst s1;
	(tag) =	ssettag s2;
	_ =	strace s9  }
0x27: {  	s1 =	sld [smem:$0x3FAD]  }
0x28: {  	s2 =	sld [smem:$0x3FAE]  }
0x29: {  	s4 =	sld [smem:$0x3FB0]  }
0x2a: {  	p0 =	seq.s32 s5, $0x0;
	s5 =	sld [smem:$0x3FB1]  }
0x2b: {  	s6 =	sld [smem:$0x3FB2]  }
0x2c: {  	s7 =	sld [smem:$0x3FB3]  }
0x2d: {  	s3 =	simm.s32 $0x108;
	s8 =	sld [smem:$0x3FB4]  }
0x2e: {  	s3 =	simm.s32 @!p0 $0x1082;
	s9 =	sld [smem:$0x3FB5]  }
0x2f: {  	lr =	sadd.s32 s0, s3;
	s0 =	sld [smem:$0x3FAC]  }
0x30: {  	s3 =	sld [smem:$0x3FAF]  }
0x31: {  	[smem:$0x3FB8] =	sst s10  }
0x32: {  	s10 =	sld [smem:$0x3FB6];
	_ =	sdelay $0x3  }
0x33: {  	p0 =	seq.s32 s10, $0x1;
	s10 =	sld [smem:$0x3FB8];
	_ =	sdelay $0x3  }
0x34: {  	[smem:$0x3FB8] =	sst s10  }
0x35: {  	s10 =	sld [smem:$0x3FB7];
	_ =	sdelay $0x3  }
0x36: {  	p1 =	seq.s32 s10, $0x1;
	s10 =	sld [smem:$0x3FB8];
	_ =	sdelay $0x3  }
0x37: {  	[smem:$0x3FB8] =	sst s10  }
0x38: {  	s10 =	sld [smem:$0x3FB9]  }
0x39: {  	_ = 	snop;
	(pc) =	sbr.ind lr, $3  }
0x3a: {  	_ = 	snop  }
0x3b: {  	_ = 	snop  }
0x3c: {  	p2 =	seq.s32 s10, $0x1;
	s10 =	sld [smem:$0x3FB8]  }
0x3d: {  	_ =	shalt  }
0x3e: {  	_ =	shalt  }
0x3f: {  	_ =	shalt  }
0x40: {  	_ =	shalt  }
0x41: {  	_ =	shalt  }
0x42: {  	_ =	shalt  }
0x43: {  	_ =	shalt  }
0x44: {  	_ =	shalt  }
0x45: {  	_ =	shalt  }
0x46: {  	_ =	shalt  }
0x47: {  	_ =	shalt  }
0x48: {  	_ =	shalt  }
0x49: {  	_ =	shalt  }
0x4a: {  	_ =	shalt  }
0x4b: {  	_ =	shalt  }
0x4c: {  	_ =	shalt  }
0x4d: {  	_ =	shalt  }
0x4e: {  	_ =	shalt  }
0x4f: {  	_ =	shalt  }
0x50: {  	_ =	shalt  }
0x51: {  	_ =	shalt  }
0x52: {  	_ =	shalt  }
0x53: {  	_ =	shalt  }
0x54: {  	_ =	shalt  }
0x55: {  	_ =	shalt  }
0x56: {  	_ =	shalt  }
0x57: {  	_ =	shalt  }
0x58: {  	_ =	shalt  }
0x59: {  	_ =	shalt  }
0x5a: {  	_ =	shalt  }
0x5b: {  	_ =	shalt  }
0x5c: {  	_ =	shalt  }
0x5d: {  	_ =	shalt  }
0x5e: {  	_ =	shalt  }
0x5f: {  	_ =	shalt  }
0x60: {  	_ =	shalt  }
0x61: {  	_ =	shalt  }
0x62: {  	_ =	shalt  }
0x63: {  	_ =	shalt  }
0x64: {  	_ =	shalt  }
0x65: {  	_ =	shalt  }
0x66: {  	_ =	shalt  }
0x67: {  	_ =	shalt  }
0x68: {  	_ =	shalt  }
0x69: {  	_ =	shalt  }
0x6a: {  	_ =	shalt  }
0x6b: {  	_ =	shalt  }
0x6c: {  	_ =	shalt  }
0x6d: {  	_ =	shalt  }
0x6e: {  	_ =	shalt  }
0x6f: {  	_ =	shalt  }
0x70: {  	_ =	shalt  }
0x71: {  	_ =	shalt  }
0x72: {  	_ =	shalt  }
0x73: {  	_ =	shalt  }
0x74: {  	_ =	shalt  }
0x75: {  	_ =	shalt  }
0x76: {  	_ =	shalt  }
0x77: {  	_ =	shalt  }
0x78: {  	_ =	shalt  }
0x79: {  	_ =	shalt  }
0x7a: {  	_ =	shalt  }
0x7b: {  	_ =	shalt  }
0x7c: {  	_ =	shalt  }
0x7d: {  	_ =	shalt  }
0x7e: {  	_ =	shalt  }
0x7f: {  	_ =	shalt  }
0x80: {  	_ =	shalt  }
0x81: {  	_ =	shalt  }
0x82: {  	_ =	shalt  }
0x83: {  	_ =	shalt  }
0x84: {  	_ =	shalt  }
0x85: {  	_ =	shalt  }
0x86: {  	_ =	shalt  }
0x87: {  	_ =	shalt  }
.Lfunc_end0:
.L_simem_size_0:
called_computation.1_lowered:
.L_overlay_start_0:
0x88: {  	s2 =	sld [smem:$0x3FD9]  }
0x89: {  	s3 =	sld [smem:$0x3FFE];
	_ =	sdelay $0x1  }
0x8a: {  	s1 =	srdreg.scid  }
0x8b: {  	s0 =	sand.u32 $0x1, s1  }
0x8c: {  	s16 =	sshll.u32 s0, $0xA;
	s2 =	sadd.s32 s3, s2  }
0x8d: {  	s2 =	sadd.s32 s2, s16  }
0x8e: {  	[smem:$0x3FC4] =	sst s2  }
0x8f: {  	_ = 	snop  }
0x90: {  	(tm) =	ssettm $0x1  }
0x91: {  	s17 =	sld [smem:$0x3FFB];
	_ =	sdelay $0x3  }
0x92: {  	_ =	strace s17  }
0x93: {  	s2 =	sld [smem:$0x3FFC];
	_ =	sdelay $0x3  }
0x94: {  	_ =	strace s2  }
0x95: {  	s2 =	sld [smem:$0x3FFD];
	_ =	sdelay $0x3  }
0x96: {  	_ =	strace s2  }
0x97: {  	_ =	strace $0x8FFFFFFF  }
0x98: {  	s18 =	sld [smem:$0x3FDB];
	_ =	sdelay $0x1  }
0x99: {  	s19 =	simm.s32 $_scs_section_size  }
0x9a: {  	s4 =	simm.s32 $_size__tile_overlayer_lowered;
	s5 =	simm.s32 $_tile_overlayer_lowered  }
0x9b: {  	s22 =	simm.s32 $0x1BFF;
	s21 =	sshll.u32 s5, $0x1;
	s2 =	sadd.s32 s19, s18  }
0x9c: {  	s6 =	simm.s32 $0x0;
	s20 =	sshll.u32 s4, $0x1;
	s4 =	sadd.s32 s21, s2  }
0x9d: {  	[timem:s6], [sflag:s22] =	dma.local [hbm:s4], s20  }
0x9e: {  	_ =	swait.ge [sflag:s22], s20  }
0x9f: {  	s3 =	ssub.s32 $0x0, s20;
	[sflag:s22] =	ssyncset.done $0x0  }
0xa0: {  	[sflag:s22] =	ssyncadd.s32 s3;
	_ =	sdelay $0x1  }
0xa1: {  	s23 =	simm.s32 $0x1B8B  }
0xa2: {  	_ =	swait.ge [sflag:s23], $0x1  }
0xa3: {  	[sflag:s23] =	ssyncset.done $0x0  }
0xa4: {  	s25 =	simm.s32 $0x1B8E;
	s24 =	sld [smem:$0x3FFE];
	[sflag:s23] =	ssyncadd.s32 $0xFFFFFFFF  }
0xa5: {  	s26 =	simm.s32 $execute0_lowered;
	[smem:$0x3FD2] =	sst s25  }
0xa6: {  	s4 =	sshll.u32 s26, $0x1;
	_ =	strace $0x80000046;
	[dreg:$0x1] =	wrdreg $0xFFFFFFFF  }
0xa7: {  	s28 =	simm.s32 $_size_execute0_lowered;
	s2 =	sadd.s32 s2, s4;
	[dreg:$0x0] =	wrdreg $0x0  }
0xa8: {  	s4 =	sshll.u32 s28, $0x1;
	[dreg:$0x2] =	wrdreg s2  }
0xa9: {  	[dreg:$0x3] =	wrdreg s4  }
0xaa: {  	[dreg:$0x4] =	wrdreg $0xC0  }
0xab: {  	_ =	task [dreg:s6], $0x5FFFF  }
0xac: {  	[dreg:$0x1] =	wrdreg $0xFFFFFFFF  }
0xad: {  	[dreg:$0x0] =	wrdreg $0x60  }
0xae: {  	[dreg:$0x2] =	wrdreg s24  }
0xaf: {  	[dreg:$0x3] =	wrdreg $0xA  }
0xb0: {  	_ =	task.clear_ibuf [dreg:s6], $0x4FFFF;
	_ =	strace $0x90000046  }
0xb1: {  	s29 =	simm.s32 $0xA;
	_ =	strace $0x80000048  }
0xb2: {  	_ =	swait.ge [sflag:s29], $0x1  }
0xb3: {  	[sflag:s29] =	ssyncadd.s32 $0xFFFFFFFF  }
0xb4: {  	_ =	strace $0x90000048  }
0xb5: {  	_ =	sfence  }
0xb6: {  	s30 =	sld [smem:$0x0];
	_ =	sdelay $0x2  }
0xb7: {  	s31 =	sshll.u32 s1, $0xD;
	s1 =	sshrl.u32 s1, $0x2  }
0xb8: {  	s3 =	sand.u32 $0x4000, s31;
	s1 =	sadd.s32 s1, s30  }
0xb9: {  	s0 =	sor.u32 s3, s0;
	s1 =	sshll.u32 s1, $0x11  }
0xba: {  	s0 =	sor.u32 s1, s0  }
0xbb: {  	s0 =	sadd.s32 $0x8F2B, s0  }
0xbc: {  	[sflag:s0] =	ssyncadd.remote.s32 $0x1  }
0xbd: {  	_ =	sfence.sel $0xFFFF  }
0xbe: {  	[dreg:$0x0] =	wrdreg $0xFFFFFFFF;
	(pc) =	sbr.abs _section_cstart, $3  }
0xbf: {  	[dreg:$0x1] =	wrdreg $0xFFFFFFFF  }
0xc0: {  	_ =	task.clear_ibuf [dreg:s6], $0x2FFFF;
	_ =	strace $0x9FFFFFFF  }
0xc1: {  	(tm) =	ssettm $0x7FFFFFFF  }
tec
execute0_lowered:
.L_overlay_start_1:
0x0: {  	(tag) =	ssettag $0x1  }
0x1: {  	s8 =	rddreg [dreg:$0x0]  }
0x2: {  	s0 =	rddreg [dreg:$0x1];
	_ =	strace $0x80000047;
	s1 =	stileid.u32  }
0x3: {  	s3 =	srdreg.scid;
	s4 =	simm.s32 $0x1;
	s7 =	simm.s32 $0x1  }
0x4: {  	s9 =	simm.s32 $0x1;
	s10 =	simm.s32 $0x3;
	s13 =	simm.s32 $0x0  }
0x5: {  	s12 =	simm.s32 $0x0;
	s5 =	sand.u32 $0x1, s3;
	s6 =	sshll.u32 s1, $0x1  }
0x6: {  	s2 =	sadd.s32 $0x200, s8;
	s3 =	sadd.s32 $0x1600, s8;
	s5 =	sor.u32 s6, s5  }
.Ltmp0:
0x7: {  	[sflag:s4] =	ssyncpa.u1 $0x0;
	p0 =	slt.u32 s5, $0x13;
	(pc) =	sbr.rel .LBB2_1-.Ltmp0, $4  }
0x8: {  	s6 =	simm.s32 $0x2;
	s7 =	simm.s32 @!p0 $0x0;
	p0 =	sne.s32 s5, $0x12  }
0x9: {  	[sflag:s6] =	ssyncpa.u1 $0x0;
	s5 =	smul.u32 $0x190, s5;
	s9 =	simm.s32 @!p0 $0x0  }
0xa: {  	s8 =	sadd.s32 $0x50400, s8;
	[sflag:s10] =	ssyncpa.u1 $0x0;
	s7 =	sadd.s32 s9, s7  }
0xb: {  	vm0 =	vmmov $0xffff;
	s10 =	simm.s32 $0x0;
	s11 =	smov.u32 s5;
	s9 =	sadd.s32 $0x1, s7  }
.LBB2_4:
0xc: {  	v2 =	vnsel vm1, $0x0, v2  }
0xd: {  	vm1 =	vgt.s32 v0, $0x0;
	v2 =	vmin.u32 v2, $0x4E1F  }
0xe: {  	v0 =	vnsel vm1, $0x0, v0  }
0xf: {  	v0 =	vmin.u32 v0, $0x4E1F  }
0x10: {  	[tilespmem:s18], [sflag:$0x1] =	stream.indirect_vreg.gather [hbm4b:s2+s10], $0x1, v1, vm0, $0x4038;
	[tilespmem:$0x640] =	vst v63  }
0x11: {  	(ifvalue) =	ssetifvalue $0x7FFFFFFF  }
0x12: {  	[tilespmem:s15], [sflag:$0x1] =	stream.indirect_vreg.gather [hbm4b:s2+s10], $0x1, v2, vm0, $0x4038;
	[tilespmem:$0x640] =	vst v63  }
0x13: {  	s29 =	sadd.s32 $0x10, s15;
	(ifvalue) =	ssetifvalue $0x7FFFFFFF  }
0x14: {  	[tilespmem:s29], [sflag:$0x1] =	stream.indirect_vreg.gather [hbm4b:s2+s10], $0x1, v0, vm0, $0x4038;
	[tilespmem:$0x640] =	vst v63  }
0x15: {  	_ =	swait.ge [sflag:s4], $0x190  }
0x16: {  	s30 =	sshrl.u32 s13, $0x3;
	[sflag:s4] =	ssyncset.done $0x0  }
0x17: {  	s31 =	sand.u32 $0x7, s13;
	s15 =	sadd.s32 s8, s30;
	[sflag:s4] =	ssyncadd.s32 $0xFFFFFE70  }
0x18: {  	[hbm4b:s15+s31] =	stream.linear.scatter [tilespmem:s14], [sflag:$0x3], $0x190, $0x38;
	[tilespmem:$0x640] =	vst v63  }
.LBB2_5:
0x19: {  	s15 =	sadd.s32 $0x3200, s11  }
0x1a: {  	p1 =	sgt.s32 s15, $0x4E1F  }
0x1b: {  	s15 =	smov.u32 @p1 s5;
	p1 =	sne.s32 s12, s9  }
.Ltmp1:
0x1c: {  	p0 =	slt.u32 s12, $0x2;
	(pc) =	sbr.rel @!p1 .LBB2_6-.Ltmp1, $4  }
0x1d: {  	s14 =	simm.s32 @!p0 $0x3  }
0x1e: {  	_ =	swait.ge @!p0 [sflag:s14], $0x190  }
0x1f: {  	s16 =	sadd.s32 $0x1, s12;
	s13 =	smov.u32 s11;
	[sflag:s14] =	ssyncset.done @!p0 $0x0  }
0x20: {  	s12 =	smov.u32 s16;
	s11 =	smov.u32 s15;
	[sflag:s14] =	ssyncadd.s32 @!p0 $0xFFFFFE70  }
.LBB2_1:
0x21: {  	p0 =	sge.u32 s12, s7  }
0x22: {  	s14 =	sxor.u32 @!p0 $0x1, s12  }
0x23: {  	s14 =	smul.u32 @!p0 $0x640, s14  }
0x24: {  	s31 =	sadd.s32 $0xFFFFFFFF, s12;
	s15 =	sshrl.u32 @!p0 s11, $0x3  }
0x25: {  	s16 =	sand.u32 @!p0 $0x7, s11;
	s15 =	sadd.s32 @!p0 s3, s15;
	s14 =	sshra.s32 @!p0 s14, $0x2  }
0x26: {  	[tilespmem:s14], [sflag:$0x2] =	stream.linear.gather @!p0 [hbm4b:s15+s16], $0x190, $0x38;
	[tilespmem:$0x640] =	vst v63  }
0x27: {  	p0 =	sge.u32 s31, s7  }
.Ltmp2:
0x28: {  	_ = 	snop;
	(pc) =	sbr.rel @p0 .LBB2_5-.Ltmp2, $1  }
0x29: {  	_ =	sdelay $0x3  }
0x2a: {  	s14 =	sand.u32 $0x1, s12  }
0x2b: {  	_ =	swait.ge [sflag:s6], $0x190;
	p0 =	seq.s32 s14, $0x1;
	s14 =	simm.s32 $0x190  }
0x2c: {  	[sflag:s6] =	ssyncset.done $0x0;
	s14 =	simm.s32 @!p0 $0x0  }
0x2d: {  	[sflag:s6] =	ssyncadd.s32 $0xFFFFFE70;
	(ifvalue) =	ssetifvalue $0x7FFFFFFF;
	v0 =	vld.msk [tilespmem:s14+$0x0 ss:$0x1], $0xffff;
	_ =	sdelay $0x4  }
0x2e: {  	s15 =	sadd.s32 $0x10, s14;
	vm1 =	vgt.s32 v0, $0x0  }
0x2f: {  	v2 =	vld.msk [tilespmem:s15+$0x0 ss:$0x1], $0xffff;
	v1 =	vnsel vm1, $0x0, v0  }
0x30: {  	v1 =	vmin.u32 v1, $0x4E1F;
	_ =	sdelay $0x2  }
0x31: {  	s17 =	simm.s32 $0x20;
	s14 =	sadd.s32 $0x320, s14;
	s16 =	sadd.s32 $0x10, s15  }
0x32: {  	s15 =	sadd.s32 $0x10, s14;
	s18 =	smov.u32 s14;
	v0 =	vld.msk [tilespmem:s16+$0x0 ss:$0x1], $0xffff;
	vm1 =	vgt.s32 v2, $0x0;
	(ifvalue) =	ssetifvalue $0x7FFFFFFF  }
.LBB2_3:
0x33: {  	[tilespmem:s18], [sflag:$0x1] =	stream.indirect_vreg.gather [hbm4b:s2+s10], $0x1, v1, vm0, $0x4038;
	[tilespmem:$0x640] =	vst v63  }
0x34: {  	s17 =	sadd.s32 $0x10, s17  }
0x35: {  	v2 =	vnsel vm1, $0x0, v2;
	p0 =	slt.u32 s17, $0x180  }
.Ltmp3:
0x36: {  	s18 =	smov.u32 s15;
	v1 =	vmin.u32 v2, $0x4E1F;
	(pc) =	sbr.rel @p0 .LBB2_3-.Ltmp3, $3  }
0x37: {  	_ =	sdelay $0x1  }
0x38: {  	s16 =	sadd.s32 $0x10, s16  }
0x39: {  	vm1 =	vgt.s32 v0, $0x0;
	s15 =	sadd.s32 $0x10, s15;
	v2 =	vmov v0;
	(ifvalue) =	ssetifvalue $0x7FFFFFFF;
	v0 =	vld.msk [tilespmem:s16+$0x0 ss:$0x1], $0xffff  }
.Ltmp4:
0x3a: {  	_ = 	snop;
	(pc) =	sbr.rel .LBB2_4-.Ltmp4, $1  }
0x3b: {  	_ =	sdelay $0x3  }
.LBB2_6:
0x3c: {  	_ =	sfence.sel $0x180000  }
0x3d: {  	s2 =	simm.s32 $0x2;
	[bflag:$0x0] =	sbarrier.arrive $0xFFFF  }
0x3e: {  	s30 =	simm.s32 $0x3;
	[sflag:s2] =	ssyncpa.u1 $0x1  }
0x3f: {  	s31 =	simm.s32 $0x1;
	[sflag:s30] =	ssyncpa.u1 $0x1  }
0x40: {  	[sflag:s31] =	ssyncpa.u1 $0x1  }
0x41: {  	p0 =	sne.s32 s1, $0x0;
	_ =	strace $0x90000047  }
0x42: {  	s0 =	sadd.s32 @!p0 $0x100000, s0;
	[bflag:$0x2] =	sbarrier.arrive $0xFFFF  }
0x43: {  	[sflag:s0] =	ssyncadd.tile.s32 @!p0 $0x1;
	_ =	shalt  }
.Lfunc_end2:
_tile_overlayer_lowered:
.L_overlay_start_2:
0x44: {  	(tag) =	ssettag $0x2  }
0x45: {  	s0 =	rddreg [dreg:$0x0];
	s2 =	stileid.u32  }
0x46: {  	s1 =	rddreg [dreg:$0x1];
	p0 =	sne.s32 s2, $0x0  }
0x47: {  	s3 =	rddreg [dreg:$0x2];
	[bflag:$0x3] =	sbarrier.arrive $0xFFFF;
	s2 =	simm.s32 @!p0 $0x1C01  }
0x48: {  	[timem:s3], [sflag:s2] =	dma.local @!p0 [hbm:s0], s1  }
0x49: {  	s0 =	simm.s32 @!p0 $0x1  }
0x4a: {  	_ =	swait.ge @!p0 [sflag:s0], s1  }
0x4b: {  	s1 =	ssub.s32 @!p0 $0x0, s1;
	[sflag:s0] =	ssyncset.done @!p0 $0x0  }
0x4c: {  	[sflag:s0] =	ssyncadd.s32 @!p0 s1  }
0x4d: {  	[bflag:$0x3] =	sbarrier.arrive $0xFFFF  }
0x4e: {  	_ =	shalt  }

// kernel: gather_offload_async_start.2
scs
__scs_entry_jumppad:
0x0: {  	(pc) =	sbr.rel $0x88, $3  }
0x1: {  	(tag) =	ssettag $0x0;
	lr =	simm.s32 $0x1  }
0x2: {  	[smem:$0x3F9D] =	sst lr;
	_ =	strace $0xD0000000  }
0x3: {  	_ = 	snop  }
0x4: {  	_ = 	snop  }
0x5: {  	_ = 	snop  }
0x6: {  	_ = 	snop  }
0x7: {  	_ = 	snop  }
__scs_overlays_trampoline_lowered:
0x8: {  	[smem:$0x3FAC] =	sst s0  }
0x9: {  	[smem:$0x3FAD] =	sst s1  }
0xa: {  	[smem:$0x3FAE] =	sst s2  }
0xb: {  	[smem:$0x3FAF] =	sst s3  }
0xc: {  	[smem:$0x3FB0] =	sst s4  }
0xd: {  	[smem:$0x3FB1] =	sst s5  }
0xe: {  	[smem:$0x3FB2] =	sst s6  }
0xf: {  	[smem:$0x3FB3] =	sst s7  }
0x10: {  	[smem:$0x3FB4] =	sst s8  }
0x11: {  	[smem:$0x3FB5] =	sst s9;
	s0 =	simm.s32 @!p0 $0x0  }
0x12: {  	s1 =	sld [smem:$0x3F9B];
	s0 =	simm.s32 @p0 $0x1  }
0x13: {  	[smem:$0x3FB6] =	sst s0;
	s0 =	simm.s32 @!p1 $0x0  }
0x14: {  	s2 =	sld [smem:$0x3F9A];
	s0 =	simm.s32 @p1 $0x1  }
0x15: {  	[smem:$0x3FB7] =	sst s0;
	s0 =	simm.s32 @!p2 $0x0  }
0x16: {  	s3 =	sld [smem:$0x3FDB];
	s0 =	simm.s32 @p2 $0x1  }
0x17: {  	s4 =	simm.s32 $0x1BF5;
	[smem:$0x3FB9] =	sst s0  }
0x18: {  	s0 =	sld [smem:$0x3F9C];
	_ =	swait.ge [sflag:s4], $0x0  }
0x19: {  	s7 =	sld [smem:$0x3F9D]  }
0x1a: {  	s8 =	sadd.s32 $0xFFFFE003, lr  }
0x1b: {  	s9 =	sadd.s32 $0xFFFFFEF7, lr;
	s5 =	simm.s32 $0xFFFFFFFF;
	p2 =	slt.u32 s8, $0xFFFFF086  }
0x1c: {  	p1 =	slt.u32 s9, $0xF7A;
	s5 =	simm.s32 @!p2 $0x0  }
0x1d: {  	s5 =	simm.s32 @p1 $0x1;
	p0 =	seq.s32 s7, s2  }
0x1e: {  	s7 =	smul.u32 @!p0 $0xF7A, s2;
	p2 =	seq.s32 @!p0 s5, $0x0  }
0x1f: {  	s9 =	smul.u32 $0xF7A, s1;
	s8 =	simm.s32 @!p0 $0x1BF5;
	p2 =	por !p2, p0  }
0x20: {  	[sflag:s8] =	ssyncset.s32 @!p0 $0xFFFFF086;
	s6 =	sadd.s32 @!p0 s3, s7;
	s7 =	simm.s32 @!p0 $0x108  }
0x21: {  	s3 =	sadd.s32 s3, s9;
	s6 =	sadd.s32 @!p0 $0x88, s6;
	s7 =	simm.s32 @p2 $0x1082  }
0x22: {  	[simem:s7], [sflag:s8] =	dma.local @!p0 [hbm:s6], $0xF7A  }
0x23: {  	s9 =	sor.u32 $0xD0000000, s2;
	s6 =	simm.s32 $0x108;
	_ =	swait.ge @!p0 [sflag:s8], $0x0  }
0x24: {  	s3 =	sadd.s32 $0x88, s3;
	s6 =	simm.s32 @!p1 $0x1082;
	[sflag:s4] =	ssyncset.s32 $0xFFFFF086  }
0x25: {  	[simem:s6], [sflag:s4] =	dma.local [hbm:s3], $0xF7A  }
0x26: {  	[smem:$0x3F9D] =	sst s1;
	(tag) =	ssettag s2;
	_ =	strace s9  }
0x27: {  	s1 =	sld [smem:$0x3FAD]  }
0x28: {  	s2 =	sld [smem:$0x3FAE]  }
0x29: {  	s4 =	sld [smem:$0x3FB0]  }
0x2a: {  	p0 =	seq.s32 s5, $0x0;
	s5 =	sld [smem:$0x3FB1]  }
0x2b: {  	s6 =	sld [smem:$0x3FB2]  }
0x2c: {  	s7 =	sld [smem:$0x3FB3]  }
0x2d: {  	s3 =	simm.s32 $0x108;
	s8 =	sld [smem:$0x3FB4]  }
0x2e: {  	s3 =	simm.s32 @!p0 $0x1082;
	s9 =	sld [smem:$0x3FB5]  }
0x2f: {  	lr =	sadd.s32 s0, s3;
	s0 =	sld [smem:$0x3FAC]  }
0x30: {  	s3 =	sld [smem:$0x3FAF]  }
0x31: {  	[smem:$0x3FB8] =	sst s10  }
0x32: {  	s10 =	sld [smem:$0x3FB6];
	_ =	sdelay $0x3  }
0x33: {  	p0 =	seq.s32 s10, $0x1;
	s10 =	sld [smem:$0x3FB8];
	_ =	sdelay $0x3  }
0x34: {  	[smem:$0x3FB8] =	sst s10  }
0x35: {  	s10 =	sld [smem:$0x3FB7];
	_ =	sdelay $0x3  }
0x36: {  	p1 =	seq.s32 s10, $0x1;
	s10 =	sld [smem:$0x3FB8];
	_ =	sdelay $0x3  }
0x37: {  	[smem:$0x3FB8] =	sst s10  }
0x38: {  	s10 =	sld [smem:$0x3FB9]  }
0x39: {  	_ = 	snop;
	(pc) =	sbr.ind lr, $3  }
0x3a: {  	_ = 	snop  }
0x3b: {  	_ = 	snop  }
0x3c: {  	p2 =	seq.s32 s10, $0x1;
	s10 =	sld [smem:$0x3FB8]  }
0x3d: {  	_ =	shalt  }
0x3e: {  	_ =	shalt  }
0x3f: {  	_ =	shalt  }
0x40: {  	_ =	shalt  }
0x41: {  	_ =	shalt  }
0x42: {  	_ =	shalt  }
0x43: {  	_ =	shalt  }
0x44: {  	_ =	shalt  }
0x45: {  	_ =	shalt  }
0x46: {  	_ =	shalt  }
0x47: {  	_ =	shalt  }
0x48: {  	_ =	shalt  }
0x49: {  	_ =	shalt  }
0x4a: {  	_ =	shalt  }
0x4b: {  	_ =	shalt  }
0x4c: {  	_ =	shalt  }
0x4d: {  	_ =	shalt  }
0x4e: {  	_ =	shalt  }
0x4f: {  	_ =	shalt  }
0x50: {  	_ =	shalt  }
0x51: {  	_ =	shalt  }
0x52: {  	_ =	shalt  }
0x53: {  	_ =	shalt  }
0x54: {  	_ =	shalt  }
0x55: {  	_ =	shalt  }
0x56: {  	_ =	shalt  }
0x57: {  	_ =	shalt  }
0x58: {  	_ =	shalt  }
0x59: {  	_ =	shalt  }
0x5a: {  	_ =	shalt  }
0x5b: {  	_ =	shalt  }
0x5c: {  	_ =	shalt  }
0x5d: {  	_ =	shalt  }
0x5e: {  	_ =	shalt  }
0x5f: {  	_ =	shalt  }
0x60: {  	_ =	shalt  }
0x61: {  	_ =	shalt  }
0x62: {  	_ =	shalt  }
0x63: {  	_ =	shalt  }
0x64: {  	_ =	shalt  }
0x65: {  	_ =	shalt  }
0x66: {  	_ =	shalt  }
0x67: {  	_ =	shalt  }
0x68: {  	_ =	shalt  }
0x69: {  	_ =	shalt  }
0x6a: {  	_ =	shalt  }
0x6b: {  	_ =	shalt  }
0x6c: {  	_ =	shalt  }
0x6d: {  	_ =	shalt  }
0x6e: {  	_ =	shalt  }
0x6f: {  	_ =	shalt  }
0x70: {  	_ =	shalt  }
0x71: {  	_ =	shalt  }
0x72: {  	_ =	shalt  }
0x73: {  	_ =	shalt  }
0x74: {  	_ =	shalt  }
0x75: {  	_ =	shalt  }
0x76: {  	_ =	shalt  }
0x77: {  	_ =	shalt  }
0x78: {  	_ =	shalt  }
0x79: {  	_ =	shalt  }
0x7a: {  	_ =	shalt  }
0x7b: {  	_ =	shalt  }
0x7c: {  	_ =	shalt  }
0x7d: {  	_ =	shalt  }
0x7e: {  	_ =	shalt  }
0x7f: {  	_ =	shalt  }
0x80: {  	_ =	shalt  }
0x81: {  	_ =	shalt  }
0x82: {  	_ =	shalt  }
0x83: {  	_ =	shalt  }
0x84: {  	_ =	shalt  }
0x85: {  	_ =	shalt  }
0x86: {  	_ =	shalt  }
0x87: {  	_ =	shalt  }
.Lfunc_end0:
.L_simem_size_0:
called_computation.2_lowered:
.L_overlay_start_0:
0x88: {  	s2 =	sld [smem:$0x3FD9]  }
0x89: {  	s3 =	sld [smem:$0x3FFE];
	_ =	sdelay $0x1  }
0x8a: {  	s1 =	srdreg.scid  }
0x8b: {  	s0 =	sand.u32 $0x1, s1  }
0x8c: {  	s16 =	sshll.u32 s0, $0xA;
	s2 =	sadd.s32 s3, s2  }
0x8d: {  	s2 =	sadd.s32 s2, s16  }
0x8e: {  	[smem:$0x3FC4] =	sst s2  }
0x8f: {  	_ = 	snop  }
0x90: {  	(tm) =	ssettm $0x1  }
0x91: {  	s17 =	sld [smem:$0x3FFB];
	_ =	sdelay $0x3  }
0x92: {  	_ =	strace s17  }
0x93: {  	s2 =	sld [smem:$0x3FFC];
	_ =	sdelay $0x3  }
0x94: {  	_ =	strace s2  }
0x95: {  	s2 =	sld [smem:$0x3FFD];
	_ =	sdelay $0x3  }
0x96: {  	_ =	strace s2  }
0x97: {  	_ =	strace $0x8FFFFFFF  }
0x98: {  	s18 =	sld [smem:$0x3FDB];
	_ =	sdelay $0x1  }
0x99: {  	s19 =	simm.s32 $_scs_section_size  }
0x9a: {  	s4 =	simm.s32 $_size__tile_overlayer_lowered;
	s5 =	simm.s32 $_tile_overlayer_lowered  }
0x9b: {  	s22 =	simm.s32 $0x1BFF;
	s21 =	sshll.u32 s5, $0x1;
	s2 =	sadd.s32 s19, s18  }
0x9c: {  	s6 =	simm.s32 $0x0;
	s20 =	sshll.u32 s4, $0x1;
	s4 =	sadd.s32 s21, s2  }
0x9d: {  	[timem:s6], [sflag:s22] =	dma.local [hbm:s4], s20  }
0x9e: {  	_ =	swait.ge [sflag:s22], s20  }
0x9f: {  	s3 =	ssub.s32 $0x0, s20;
	[sflag:s22] =	ssyncset.done $0x0  }
0xa0: {  	[sflag:s22] =	ssyncadd.s32 s3;
	_ =	sdelay $0x1  }
0xa1: {  	s23 =	simm.s32 $0x1B8B  }
0xa2: {  	_ =	swait.ge [sflag:s23], $0x1  }
0xa3: {  	[sflag:s23] =	ssyncset.done $0x0  }
0xa4: {  	s25 =	simm.s32 $0x1B8E;
	s24 =	sld [smem:$0x3FFE];
	[sflag:s23] =	ssyncadd.s32 $0xFFFFFFFF  }
0xa5: {  	s26 =	simm.s32 $execute0_lowered;
	[smem:$0x3FD2] =	sst s25  }
0xa6: {  	s4 =	sshll.u32 s26, $0x1;
	_ =	strace $0x8000004C;
	[dreg:$0x1] =	wrdreg $0xFFFFFFFF  }
0xa7: {  	s28 =	simm.s32 $_size_execute0_lowered;
	s2 =	sadd.s32 s2, s4;
	[dreg:$0x0] =	wrdreg $0x0  }
0xa8: {  	s4 =	sshll.u32 s28, $0x1;
	[dreg:$0x2] =	wrdreg s2  }
0xa9: {  	[dreg:$0x3] =	wrdreg s4  }
0xaa: {  	[dreg:$0x4] =	wrdreg $0xC0  }
0xab: {  	_ =	task [dreg:s6], $0x5FFFF  }
0xac: {  	[dreg:$0x1] =	wrdreg $0xFFFFFFFF  }
0xad: {  	[dreg:$0x0] =	wrdreg $0x60  }
0xae: {  	[dreg:$0x2] =	wrdreg s24  }
0xaf: {  	[dreg:$0x3] =	wrdreg $0x9  }
0xb0: {  	_ =	task.clear_ibuf [dreg:s6], $0x4FFFF;
	_ =	strace $0x9000004C  }
0xb1: {  	s29 =	simm.s32 $0x9;
	_ =	strace $0x8000004E  }
0xb2: {  	_ =	swait.ge [sflag:s29], $0x1  }
0xb3: {  	[sflag:s29] =	ssyncadd.s32 $0xFFFFFFFF  }
0xb4: {  	_ =	strace $0x9000004E  }
0xb5: {  	_ =	sfence  }
0xb6: {  	s30 =	sld [smem:$0x0];
	_ =	sdelay $0x2  }
0xb7: {  	s31 =	sshll.u32 s1, $0xD;
	s1 =	sshrl.u32 s1, $0x2  }
0xb8: {  	s3 =	sand.u32 $0x4000, s31;
	s1 =	sadd.s32 s1, s30  }
0xb9: {  	s0 =	sor.u32 s3, s0;
	s1 =	sshll.u32 s1, $0x11  }
0xba: {  	s0 =	sor.u32 s1, s0  }
0xbb: {  	s0 =	sadd.s32 $0x8F2B, s0  }
0xbc: {  	[sflag:s0] =	ssyncadd.remote.s32 $0x1  }
0xbd: {  	_ =	sfence.sel $0xFFFF  }
0xbe: {  	[dreg:$0x0] =	wrdreg $0xFFFFFFFF;
	(pc) =	sbr.abs _section_cstart, $3  }
0xbf: {  	[dreg:$0x1] =	wrdreg $0xFFFFFFFF  }
0xc0: {  	_ =	task.clear_ibuf [dreg:s6], $0x2FFFF;
	_ =	strace $0x9FFFFFFF  }
0xc1: {  	(tm) =	ssettm $0x7FFFFFFF  }
tec
execute0_lowered:
.L_overlay_start_1:
0x0: {  	(tag) =	ssettag $0x1  }
0x1: {  	s8 =	rddreg [dreg:$0x0]  }
0x2: {  	s0 =	rddreg [dreg:$0x1];
	_ =	strace $0x8000004D;
	s1 =	stileid.u32  }
0x3: {  	s3 =	srdreg.scid;
	s4 =	simm.s32 $0x1;
	s7 =	simm.s32 $0x1  }
0x4: {  	s9 =	simm.s32 $0x1;
	s10 =	simm.s32 $0x3;
	s13 =	simm.s32 $0x0  }
0x5: {  	s12 =	simm.s32 $0x0;
	s5 =	sand.u32 $0x1, s3;
	s6 =	sshll.u32 s1, $0x1  }
0x6: {  	s2 =	sadd.s32 $0xC00, s8;
	s3 =	sadd.s32 $0x200, s8;
	s5 =	sor.u32 s6, s5  }
.Ltmp0:
0x7: {  	[sflag:s4] =	ssyncpa.u1 $0x0;
	p0 =	slt.u32 s5, $0x13;
	(pc) =	sbr.rel .LBB2_1-.Ltmp0, $4  }
0x8: {  	s6 =	simm.s32 $0x2;
	s7 =	simm.s32 @!p0 $0x0;
	p0 =	sne.s32 s5, $0x12  }
0x9: {  	[sflag:s6] =	ssyncpa.u1 $0x0;
	s5 =	smul.u32 $0x190, s5;
	s9 =	simm.s32 @!p0 $0x0  }
0xa: {  	s8 =	sadd.s32 $0x1600, s8;
	[sflag:s10] =	ssyncpa.u1 $0x0;
	s7 =	sadd.s32 s9, s7  }
0xb: {  	vm0 =	vmmov $0xffff;
	s10 =	simm.s32 $0x0;
	s11 =	smov.u32 s5;
	s9 =	sadd.s32 $0x1, s7  }
.LBB2_4:
0xc: {  	v2 =	vnsel vm1, $0x0, v2  }
0xd: {  	vm1 =	vgt.s32 v0, $0x0;
	v2 =	vmin.u32 v2, $0x4E1F  }
0xe: {  	v0 =	vnsel vm1, $0x0, v0  }
0xf: {  	v0 =	vmin.u32 v0, $0x4E1F  }
0x10: {  	[tilespmem:s18], [sflag:$0x1] =	stream.indirect_vreg.gather [hbm4b:s2+s10], $0x1, v1, vm0, $0x4038;
	[tilespmem:$0x640] =	vst v63  }
0x11: {  	(ifvalue) =	ssetifvalue $0x7FFFFFFF  }
0x12: {  	[tilespmem:s15], [sflag:$0x1] =	stream.indirect_vreg.gather [hbm4b:s2+s10], $0x1, v2, vm0, $0x4038;
	[tilespmem:$0x640] =	vst v63  }
0x13: {  	s29 =	sadd.s32 $0x10, s15;
	(ifvalue) =	ssetifvalue $0x7FFFFFFF  }
0x14: {  	[tilespmem:s29], [sflag:$0x1] =	stream.indirect_vreg.gather [hbm4b:s2+s10], $0x1, v0, vm0, $0x4038;
	[tilespmem:$0x640] =	vst v63  }
0x15: {  	_ =	swait.ge [sflag:s4], $0x190  }
0x16: {  	s30 =	sshrl.u32 s13, $0x3;
	[sflag:s4] =	ssyncset.done $0x0  }
0x17: {  	s31 =	sand.u32 $0x7, s13;
	s15 =	sadd.s32 s8, s30;
	[sflag:s4] =	ssyncadd.s32 $0xFFFFFE70  }
0x18: {  	[hbm4b:s15+s31] =	stream.linear.scatter [tilespmem:s14], [sflag:$0x3], $0x190, $0x38;
	[tilespmem:$0x640] =	vst v63  }
.LBB2_5:
0x19: {  	s15 =	sadd.s32 $0x3200, s11  }
0x1a: {  	p1 =	sgt.s32 s15, $0x4E1F  }
0x1b: {  	s15 =	smov.u32 @p1 s5;
	p1 =	sne.s32 s12, s9  }
.Ltmp1:
0x1c: {  	p0 =	slt.u32 s12, $0x2;
	(pc) =	sbr.rel @!p1 .LBB2_6-.Ltmp1, $4  }
0x1d: {  	s14 =	simm.s32 @!p0 $0x3  }
0x1e: {  	_ =	swait.ge @!p0 [sflag:s14], $0x190  }
0x1f: {  	s16 =	sadd.s32 $0x1, s12;
	s13 =	smov.u32 s11;
	[sflag:s14] =	ssyncset.done @!p0 $0x0  }
0x20: {  	s12 =	smov.u32 s16;
	s11 =	smov.u32 s15;
	[sflag:s14] =	ssyncadd.s32 @!p0 $0xFFFFFE70  }
.LBB2_1:
0x21: {  	p0 =	sge.u32 s12, s7  }
0x22: {  	s14 =	sxor.u32 @!p0 $0x1, s12  }
0x23: {  	s14 =	smul.u32 @!p0 $0x640, s14  }
0x24: {  	s31 =	sadd.s32 $0xFFFFFFFF, s12;
	s15 =	sshrl.u32 @!p0 s11, $0x3  }
0x25: {  	s16 =	sand.u32 @!p0 $0x7, s11;
	s15 =	sadd.s32 @!p0 s3, s15;
	s14 =	sshra.s32 @!p0 s14, $0x2  }
0x26: {  	[tilespmem:s14], [sflag:$0x2] =	stream.linear.gather @!p0 [hbm4b:s15+s16], $0x190, $0x38;
	[tilespmem:$0x640] =	vst v63  }
0x27: {  	p0 =	sge.u32 s31, s7  }
.Ltmp2:
0x28: {  	_ = 	snop;
	(pc) =	sbr.rel @p0 .LBB2_5-.Ltmp2, $1  }
0x29: {  	_ =	sdelay $0x3  }
0x2a: {  	s14 =	sand.u32 $0x1, s12  }
0x2b: {  	_ =	swait.ge [sflag:s6], $0x190;
	p0 =	seq.s32 s14, $0x1;
	s14 =	simm.s32 $0x190  }
0x2c: {  	[sflag:s6] =	ssyncset.done $0x0;
	s14 =	simm.s32 @!p0 $0x0  }
0x2d: {  	[sflag:s6] =	ssyncadd.s32 $0xFFFFFE70;
	(ifvalue) =	ssetifvalue $0x7FFFFFFF;
	v0 =	vld.msk [tilespmem:s14+$0x0 ss:$0x1], $0xffff;
	_ =	sdelay $0x4  }
0x2e: {  	s15 =	sadd.s32 $0x10, s14;
	vm1 =	vgt.s32 v0, $0x0  }
0x2f: {  	v2 =	vld.msk [tilespmem:s15+$0x0 ss:$0x1], $0xffff;
	v1 =	vnsel vm1, $0x0, v0  }
0x30: {  	v1 =	vmin.u32 v1, $0x4E1F;
	_ =	sdelay $0x2  }
0x31: {  	s17 =	simm.s32 $0x20;
	s14 =	sadd.s32 $0x320, s14;
	s16 =	sadd.s32 $0x10, s15  }
0x32: {  	s15 =	sadd.s32 $0x10, s14;
	s18 =	smov.u32 s14;
	v0 =	vld.msk [tilespmem:s16+$0x0 ss:$0x1], $0xffff;
	vm1 =	vgt.s32 v2, $0x0;
	(ifvalue) =	ssetifvalue $0x7FFFFFFF  }
.LBB2_3:
0x33: {  	[tilespmem:s18], [sflag:$0x1] =	stream.indirect_vreg.gather [hbm4b:s2+s10], $0x1, v1, vm0, $0x4038;
	[tilespmem:$0x640] =	vst v63  }
0x34: {  	s17 =	sadd.s32 $0x10, s17  }
0x35: {  	v2 =	vnsel vm1, $0x0, v2;
	p0 =	slt.u32 s17, $0x180  }
.Ltmp3:
0x36: {  	s18 =	smov.u32 s15;
	v1 =	vmin.u32 v2, $0x4E1F;
	(pc) =	sbr.rel @p0 .LBB2_3-.Ltmp3, $3  }
0x37: {  	_ =	sdelay $0x1  }
0x38: {  	s16 =	sadd.s32 $0x10, s16  }
0x39: {  	vm1 =	vgt.s32 v0, $0x0;
	s15 =	sadd.s32 $0x10, s15;
	v2 =	vmov v0;
	(ifvalue) =	ssetifvalue $0x7FFFFFFF;
	v0 =	vld.msk [tilespmem:s16+$0x0 ss:$0x1], $0xffff  }
.Ltmp4:
0x3a: {  	_ = 	snop;
	(pc) =	sbr.rel .LBB2_4-.Ltmp4, $1  }
0x3b: {  	_ =	sdelay $0x3  }
.LBB2_6:
0x3c: {  	_ =	sfence.sel $0x180000  }
0x3d: {  	s2 =	simm.s32 $0x2;
	[bflag:$0x0] =	sbarrier.arrive $0xFFFF  }
0x3e: {  	s30 =	simm.s32 $0x3;
	[sflag:s2] =	ssyncpa.u1 $0x1  }
0x3f: {  	s31 =	simm.s32 $0x1;
	[sflag:s30] =	ssyncpa.u1 $0x1  }
0x40: {  	[sflag:s31] =	ssyncpa.u1 $0x1  }
0x41: {  	p0 =	sne.s32 s1, $0x0;
	_ =	strace $0x9000004D  }
0x42: {  	s0 =	sadd.s32 @!p0 $0x100000, s0;
	[bflag:$0x2] =	sbarrier.arrive $0xFFFF  }
0x43: {  	[sflag:s0] =	ssyncadd.tile.s32 @!p0 $0x1;
	_ =	shalt  }
.Lfunc_end2:
_tile_overlayer_lowered:
.L_overlay_start_2:
0x44: {  	(tag) =	ssettag $0x2  }
0x45: {  	s0 =	rddreg [dreg:$0x0];
	s2 =	stileid.u32  }
0x46: {  	s1 =	rddreg [dreg:$0x1];
	p0 =	sne.s32 s2, $0x0  }
0x47: {  	s3 =	rddreg [dreg:$0x2];
	[bflag:$0x3] =	sbarrier.arrive $0xFFFF;
	s2 =	simm.s32 @!p0 $0x1C01  }
0x48: {  	[timem:s3], [sflag:s2] =	dma.local @!p0 [hbm:s0], s1  }
0x49: {  	s0 =	simm.s32 @!p0 $0x1  }
0x4a: {  	_ =	swait.ge @!p0 [sflag:s0], s1  }
0x4b: {  	s1 =	ssub.s32 @!p0 $0x0, s1;
	[sflag:s0] =	ssyncset.done @!p0 $0x0  }
0x4c: {  	[sflag:s0] =	ssyncadd.s32 @!p0 s1  }
0x4d: {  	[bflag:$0x3] =	sbarrier.arrive $0xFFFF  }
0x4e: {  	_ =	shalt  }

// kernel: gather_offload_async_start
scs
__scs_entry_jumppad:
0x0: {  	(pc) =	sbr.rel $0x88, $3  }
0x1: {  	(tag) =	ssettag $0x0;
	lr =	simm.s32 $0x1  }
0x2: {  	[smem:$0x3F9D] =	sst lr;
	_ =	strace $0xD0000000  }
0x3: {  	_ = 	snop  }
0x4: {  	_ = 	snop  }
0x5: {  	_ = 	snop  }
0x6: {  	_ = 	snop  }
0x7: {  	_ = 	snop  }
__scs_overlays_trampoline_lowered:
0x8: {  	[smem:$0x3FAC] =	sst s0  }
0x9: {  	[smem:$0x3FAD] =	sst s1  }
0xa: {  	[smem:$0x3FAE] =	sst s2  }
0xb: {  	[smem:$0x3FAF] =	sst s3  }
0xc: {  	[smem:$0x3FB0] =	sst s4  }
0xd: {  	[smem:$0x3FB1] =	sst s5  }
0xe: {  	[smem:$0x3FB2] =	sst s6  }
0xf: {  	[smem:$0x3FB3] =	sst s7  }
0x10: {  	[smem:$0x3FB4] =	sst s8  }
0x11: {  	[smem:$0x3FB5] =	sst s9;
	s0 =	simm.s32 @!p0 $0x0  }
0x12: {  	s1 =	sld [smem:$0x3F9B];
	s0 =	simm.s32 @p0 $0x1  }
0x13: {  	[smem:$0x3FB6] =	sst s0;
	s0 =	simm.s32 @!p1 $0x0  }
0x14: {  	s2 =	sld [smem:$0x3F9A];
	s0 =	simm.s32 @p1 $0x1  }
0x15: {  	[smem:$0x3FB7] =	sst s0;
	s0 =	simm.s32 @!p2 $0x0  }
0x16: {  	s3 =	sld [smem:$0x3FDB];
	s0 =	simm.s32 @p2 $0x1  }
0x17: {  	s4 =	simm.s32 $0x1BF5;
	[smem:$0x3FB9] =	sst s0  }
0x18: {  	s0 =	sld [smem:$0x3F9C];
	_ =	swait.ge [sflag:s4], $0x0  }
0x19: {  	s7 =	sld [smem:$0x3F9D]  }
0x1a: {  	s8 =	sadd.s32 $0xFFFFE003, lr  }
0x1b: {  	s9 =	sadd.s32 $0xFFFFFEF7, lr;
	s5 =	simm.s32 $0xFFFFFFFF;
	p2 =	slt.u32 s8, $0xFFFFF086  }
0x1c: {  	p1 =	slt.u32 s9, $0xF7A;
	s5 =	simm.s32 @!p2 $0x0  }
0x1d: {  	s5 =	simm.s32 @p1 $0x1;
	p0 =	seq.s32 s7, s2  }
0x1e: {  	s7 =	smul.u32 @!p0 $0xF7A, s2;
	p2 =	seq.s32 @!p0 s5, $0x0  }
0x1f: {  	s9 =	smul.u32 $0xF7A, s1;
	s8 =	simm.s32 @!p0 $0x1BF5;
	p2 =	por !p2, p0  }
0x20: {  	[sflag:s8] =	ssyncset.s32 @!p0 $0xFFFFF086;
	s6 =	sadd.s32 @!p0 s3, s7;
	s7 =	simm.s32 @!p0 $0x108  }
0x21: {  	s3 =	sadd.s32 s3, s9;
	s6 =	sadd.s32 @!p0 $0x88, s6;
	s7 =	simm.s32 @p2 $0x1082  }
0x22: {  	[simem:s7], [sflag:s8] =	dma.local @!p0 [hbm:s6], $0xF7A  }
0x23: {  	s9 =	sor.u32 $0xD0000000, s2;
	s6 =	simm.s32 $0x108;
	_ =	swait.ge @!p0 [sflag:s8], $0x0  }
0x24: {  	s3 =	sadd.s32 $0x88, s3;
	s6 =	simm.s32 @!p1 $0x1082;
	[sflag:s4] =	ssyncset.s32 $0xFFFFF086  }
0x25: {  	[simem:s6], [sflag:s4] =	dma.local [hbm:s3], $0xF7A  }
0x26: {  	[smem:$0x3F9D] =	sst s1;
	(tag) =	ssettag s2;
	_ =	strace s9  }
0x27: {  	s1 =	sld [smem:$0x3FAD]  }
0x28: {  	s2 =	sld [smem:$0x3FAE]  }
0x29: {  	s4 =	sld [smem:$0x3FB0]  }
0x2a: {  	p0 =	seq.s32 s5, $0x0;
	s5 =	sld [smem:$0x3FB1]  }
0x2b: {  	s6 =	sld [smem:$0x3FB2]  }
0x2c: {  	s7 =	sld [smem:$0x3FB3]  }
0x2d: {  	s3 =	simm.s32 $0x108;
	s8 =	sld [smem:$0x3FB4]  }
0x2e: {  	s3 =	simm.s32 @!p0 $0x1082;
	s9 =	sld [smem:$0x3FB5]  }
0x2f: {  	lr =	sadd.s32 s0, s3;
	s0 =	sld [smem:$0x3FAC]  }
0x30: {  	s3 =	sld [smem:$0x3FAF]  }
0x31: {  	[smem:$0x3FB8] =	sst s10  }
0x32: {  	s10 =	sld [smem:$0x3FB6];
	_ =	sdelay $0x3  }
0x33: {  	p0 =	seq.s32 s10, $0x1;
	s10 =	sld [smem:$0x3FB8];
	_ =	sdelay $0x3  }
0x34: {  	[smem:$0x3FB8] =	sst s10  }
0x35: {  	s10 =	sld [smem:$0x3FB7];
	_ =	sdelay $0x3  }
0x36: {  	p1 =	seq.s32 s10, $0x1;
	s10 =	sld [smem:$0x3FB8];
	_ =	sdelay $0x3  }
0x37: {  	[smem:$0x3FB8] =	sst s10  }
0x38: {  	s10 =	sld [smem:$0x3FB9]  }
0x39: {  	_ = 	snop;
	(pc) =	sbr.ind lr, $3  }
0x3a: {  	_ = 	snop  }
0x3b: {  	_ = 	snop  }
0x3c: {  	p2 =	seq.s32 s10, $0x1;
	s10 =	sld [smem:$0x3FB8]  }
0x3d: {  	_ =	shalt  }
0x3e: {  	_ =	shalt  }
0x3f: {  	_ =	shalt  }
0x40: {  	_ =	shalt  }
0x41: {  	_ =	shalt  }
0x42: {  	_ =	shalt  }
0x43: {  	_ =	shalt  }
0x44: {  	_ =	shalt  }
0x45: {  	_ =	shalt  }
0x46: {  	_ =	shalt  }
0x47: {  	_ =	shalt  }
0x48: {  	_ =	shalt  }
0x49: {  	_ =	shalt  }
0x4a: {  	_ =	shalt  }
0x4b: {  	_ =	shalt  }
0x4c: {  	_ =	shalt  }
0x4d: {  	_ =	shalt  }
0x4e: {  	_ =	shalt  }
0x4f: {  	_ =	shalt  }
0x50: {  	_ =	shalt  }
0x51: {  	_ =	shalt  }
0x52: {  	_ =	shalt  }
0x53: {  	_ =	shalt  }
0x54: {  	_ =	shalt  }
0x55: {  	_ =	shalt  }
0x56: {  	_ =	shalt  }
0x57: {  	_ =	shalt  }
0x58: {  	_ =	shalt  }
0x59: {  	_ =	shalt  }
0x5a: {  	_ =	shalt  }
0x5b: {  	_ =	shalt  }
0x5c: {  	_ =	shalt  }
0x5d: {  	_ =	shalt  }
0x5e: {  	_ =	shalt  }
0x5f: {  	_ =	shalt  }
0x60: {  	_ =	shalt  }
0x61: {  	_ =	shalt  }
0x62: {  	_ =	shalt  }
0x63: {  	_ =	shalt  }
0x64: {  	_ =	shalt  }
0x65: {  	_ =	shalt  }
0x66: {  	_ =	shalt  }
0x67: {  	_ =	shalt  }
0x68: {  	_ =	shalt  }
0x69: {  	_ =	shalt  }
0x6a: {  	_ =	shalt  }
0x6b: {  	_ =	shalt  }
0x6c: {  	_ =	shalt  }
0x6d: {  	_ =	shalt  }
0x6e: {  	_ =	shalt  }
0x6f: {  	_ =	shalt  }
0x70: {  	_ =	shalt  }
0x71: {  	_ =	shalt  }
0x72: {  	_ =	shalt  }
0x73: {  	_ =	shalt  }
0x74: {  	_ =	shalt  }
0x75: {  	_ =	shalt  }
0x76: {  	_ =	shalt  }
0x77: {  	_ =	shalt  }
0x78: {  	_ =	shalt  }
0x79: {  	_ =	shalt  }
0x7a: {  	_ =	shalt  }
0x7b: {  	_ =	shalt  }
0x7c: {  	_ =	shalt  }
0x7d: {  	_ =	shalt  }
0x7e: {  	_ =	shalt  }
0x7f: {  	_ =	shalt  }
0x80: {  	_ =	shalt  }
0x81: {  	_ =	shalt  }
0x82: {  	_ =	shalt  }
0x83: {  	_ =	shalt  }
0x84: {  	_ =	shalt  }
0x85: {  	_ =	shalt  }
0x86: {  	_ =	shalt  }
0x87: {  	_ =	shalt  }
.Lfunc_end0:
.L_simem_size_0:
called_computation_lowered:
.L_overlay_start_0:
0x88: {  	s2 =	sld [smem:$0x3FD9]  }
0x89: {  	s3 =	sld [smem:$0x3FFE];
	_ =	sdelay $0x1  }
0x8a: {  	s1 =	srdreg.scid  }
0x8b: {  	s0 =	sand.u32 $0x1, s1  }
0x8c: {  	s17 =	sshll.u32 s0, $0xA;
	s2 =	sadd.s32 s3, s2  }
0x8d: {  	s2 =	sadd.s32 s2, s17  }
0x8e: {  	[smem:$0x3FC4] =	sst s2  }
0x8f: {  	_ = 	snop  }
0x90: {  	(tm) =	ssettm $0x1  }
0x91: {  	s18 =	sld [smem:$0x3FFB];
	_ =	sdelay $0x3  }
0x92: {  	_ =	strace s18  }
0x93: {  	s2 =	sld [smem:$0x3FFC];
	_ =	sdelay $0x3  }
0x94: {  	_ =	strace s2  }
0x95: {  	s2 =	sld [smem:$0x3FFD];
	_ =	sdelay $0x3  }
0x96: {  	_ =	strace s2  }
0x97: {  	_ =	strace $0x8FFFFFFF  }
0x98: {  	s19 =	sld [smem:$0x3FDB];
	_ =	sdelay $0x1  }
0x99: {  	s20 =	simm.s32 $_scs_section_size  }
0x9a: {  	s4 =	simm.s32 $_size__tile_overlayer_lowered;
	s5 =	simm.s32 $_tile_overlayer_lowered  }
0x9b: {  	s6 =	simm.s32 $0x1BFF;
	s21 =	sshll.u32 s5, $0x1;
	s3 =	sadd.s32 s20, s19  }
0x9c: {  	s22 =	simm.s32 $0x0;
	s4 =	sshll.u32 s4, $0x1;
	s5 =	sadd.s32 s21, s3  }
0x9d: {  	[timem:s22], [sflag:s6] =	dma.local [hbm:s5], s4  }
0x9e: {  	_ =	swait.ge [sflag:s6], s4  }
0x9f: {  	s4 =	ssub.s32 $0x0, s4;
	[sflag:s6] =	ssyncset.done $0x0  }
0xa0: {  	[sflag:s6] =	ssyncadd.s32 s4;
	_ =	sdelay $0x1  }
0xa1: {  	s23 =	simm.s32 $0x1B8B  }
0xa2: {  	_ =	swait.ge [sflag:s23], $0x1  }
0xa3: {  	[sflag:s23] =	ssyncset.done $0x0  }
0xa4: {  	[sflag:s23] =	ssyncadd.s32 $0xFFFFFFFF  }
0xa5: {  	s4 =	sld [smem:$0x0]  }
0xa6: {  	s5 =	sand.u32 $0xFFFFFFFE, s1  }
0xa7: {  	p0 =	sne.s32 s1, s5  }
0xa8: {  	s5 =	sshll.u32 @p0 s5, $0xE  }
0xa9: {  	s5 =	sadd.s32 @p0 $0x11B8D, s5;
	s6 =	sshll.u32 @p0 s4, $0x11  }
0xaa: {  	s5 =	sor.u32 @p0 s6, s5  }
0xab: {  	[sflag:s5] =	ssyncadd.remote.s32 @p0 $0x1;
	_ =	sdelay $0x1  }
0xac: {  	s5 =	simm.s32 @p0 $0x1B8D  }
0xad: {  	_ =	swait.eq @p0 [sflag:s5], $0x1  }
0xae: {  	[sflag:s5] =	ssyncadd.s32 @p0 $0xFFFFFFFF  }
0xaf: {  	s6 =	sshll.u32 @!p0 s1, $0xE  }
0xb0: {  	s6 =	sor.u32 @!p0 $0x4000, s6;
	s5 =	simm.s32 @!p0 $0x1B8D  }
0xb1: {  	s4 =	sshll.u32 @!p0 s4, $0x11;
	s6 =	sadd.s32 @!p0 $0x11B8D, s6;
	_ =	swait.eq @!p0 [sflag:s5], $0x1  }
0xb2: {  	s4 =	sor.u32 @!p0 s4, s6;
	[sflag:s5] =	ssyncadd.s32 @!p0 $0xFFFFFFFF  }
0xb3: {  	s25 =	simm.s32 $0x1B8E;
	s24 =	sld [smem:$0x3FFE];
	[sflag:s4] =	ssyncadd.remote.s32 @!p0 $0x1  }
0xb4: {  	s26 =	simm.s32 $execute0_lowered;
	[smem:$0x3FD2] =	sst s25  }
0xb5: {  	s5 =	sshll.u32 s26, $0x1;
	_ =	strace $0x80000049;
	[dreg:$0x1] =	wrdreg $0xFFFFFFFF  }
0xb6: {  	s28 =	simm.s32 $_size_execute0_lowered;
	s3 =	sadd.s32 s3, s5;
	[dreg:$0x0] =	wrdreg $0x0  }
0xb7: {  	s5 =	sshll.u32 s28, $0x1;
	[dreg:$0x2] =	wrdreg s3  }
0xb8: {  	[dreg:$0x3] =	wrdreg s5  }
0xb9: {  	[dreg:$0x4] =	wrdreg $0xC0  }
0xba: {  	_ =	task [dreg:s22], $0x5FFFF  }
0xbb: {  	[dreg:$0x1] =	wrdreg $0xFFFFFFFF  }
0xbc: {  	[dreg:$0x0] =	wrdreg $0x60  }
0xbd: {  	[dreg:$0x2] =	wrdreg s24  }
0xbe: {  	[dreg:$0x3] =	wrdreg $0x9  }
0xbf: {  	_ =	task.clear_ibuf [dreg:s22], $0x4FFFF;
	_ =	strace $0x90000049  }
0xc0: {  	s29 =	simm.s32 $0x9;
	_ =	strace $0x8000004B  }
0xc1: {  	_ =	swait.ge [sflag:s29], $0x1  }
0xc2: {  	[sflag:s29] =	ssyncadd.s32 $0xFFFFFFFF  }
0xc3: {  	_ =	strace $0x9000004B  }
0xc4: {  	_ =	sfence  }
0xc5: {  	s30 =	sld [smem:$0x0];
	_ =	sdelay $0x2  }
0xc6: {  	s31 =	sshll.u32 s1, $0xD;
	s1 =	sshrl.u32 s1, $0x2  }
0xc7: {  	s4 =	sand.u32 $0x4000, s31;
	s1 =	sadd.s32 s1, s30  }
0xc8: {  	s0 =	sor.u32 s4, s0;
	s1 =	sshll.u32 s1, $0x11  }
0xc9: {  	s0 =	sor.u32 s1, s0  }
0xca: {  	s0 =	sadd.s32 $0x8F2B, s0  }
0xcb: {  	[sflag:s0] =	ssyncadd.remote.s32 $0x1  }
0xcc: {  	_ =	sfence.sel $0xFFFF  }
0xcd: {  	[dreg:$0x0] =	wrdreg $0xFFFFFFFF;
	(pc) =	sbr.abs _section_cstart, $3  }
0xce: {  	[dreg:$0x1] =	wrdreg $0xFFFFFFFF  }
0xcf: {  	_ =	task.clear_ibuf [dreg:s22], $0x2FFFF;
	_ =	strace $0x9FFFFFFF  }
0xd0: {  	(tm) =	ssettm $0x7FFFFFFF  }
0xd1: {  	_ =	shalt  }
tec
execute0_lowered:
.L_overlay_start_1:
0x0: {  	(tag) =	ssettag $0x1  }
0x1: {  	s0 =	srdreg.scid  }
0x2: {  	s1 =	sshll.u32 s0, $0x4  }
0x3: {  	s0 =	stileid.u32;
	s1 =	sand.u32 $0x10, s1  }
0x4: {  	s2 =	sor.u32 s0, s1  }
0x5: {  	s1 =	smin.u32 s2, $0x12  }
0x6: {  	s1 =	sadd.s32 s2, s1  }
0x7: {  	p0 =	slt.u32 s2, $0x12;
	s2 =	simm.s32 $0x320;
	s1 =	smul.u32 $0x190, s1  }
0x8: {  	s2 =	simm.s32 @!p0 $0x190  }
0x9: {  	s2 =	sadd.s32 s2, s1  }
0xa: {  	s3 =	smin.u32 s2, $0x4E20  }
0xb: {  	s7 =	ssub.s32 s3, s1  }
0xc: {  	p0 =	sgt.s32 s7, $0x0  }
0xd: {  	s7 =	simm.s32 @!p0 $0x0  }
0xe: {  	s31 =	sand.u32 $0xFFF0, s7  }
0xf: {  	s2 =	sshrl.u32 s31, $0x4  }
0x10: {  	s2 =	smul.u32 $0xA3E, s2  }
0x11: {  	s9 =	rddreg [dreg:$0x0];
	s6 =	simm.s32 $0x1;
	s11 =	simm.s32 $0x3  }
0x12: {  	s13 =	simm.s32 $0x0;
	s12 =	simm.s32 $0x0;
	s8 =	sshrl.u32 s2, $0x10  }
0x13: {  	s4 =	sadd.s32 $0x2000, s9;
	s5 =	sadd.s32 $0x1600, s9;
	s10 =	smul.u32 $0x190, s8  }
.Ltmp0:
0x14: {  	s9 =	sadd.s32 $0x50E00, s9;
	s2 =	rddreg [dreg:$0x1];
	(pc) =	sbr.rel .LBB2_1-.Ltmp0, $4  }
0x15: {  	_ =	strace $0x8000004A;
	p0 =	sne.s32 s7, s10;
	s10 =	simm.s32 $0x1  }
0x16: {  	[sflag:s6] =	ssyncpa.u1 $0x0;
	s7 =	simm.s32 $0x2;
	s10 =	simm.s32 @!p0 $0x0  }
0x17: {  	[sflag:s7] =	ssyncpa.u1 $0x0;
	p0 =	por $0x0, $0x0;
	s8 =	sadd.s32 s8, s10  }
0x18: {  	vm0 =	vmmov $0xff;
	vm1 =	vcmask $0x3F20;
	[sflag:s11] =	ssyncpa.u1 $0x0;
	s11 =	smov.u32 s1;
	s10 =	sadd.s32 $0x1, s8  }
.LBB2_6:
0x19: {  	[hbm:s17] =	stream.linear.scatter [tilespmem:s14], [sflag:$0x3], $0x400, $0x38;
	[tilespmem:$0x19320] =	vst v63  }
.LBB2_7:
0x1a: {  	s13 =	sadd.s32 $0x190, s11  }
0x1b: {  	s15 =	smov.u32 s1;
	p2 =	slt.s32 s13, s3  }
0x1c: {  	s15 =	smov.u32 @p2 s13;
	p2 =	sne.s32 s12, s10  }
.Ltmp1:
0x1d: {  	p1 =	slt.u32 s12, $0x2;
	(pc) =	sbr.rel @!p2 .LBB2_8-.Ltmp1, $4  }
0x1e: {  	s14 =	simm.s32 @!p1 $0x3  }
0x1f: {  	s16 =	sadd.s32 $0x1, s12;
	_ =	swait.ge @!p1 [sflag:s14], $0xC800  }
0x20: {  	p0 =	por !p0, !p0;
	s13 =	smov.u32 s11;
	[sflag:s14] =	ssyncset.done @!p1 $0x0  }
0x21: {  	s12 =	smov.u32 s16;
	s11 =	smov.u32 s15;
	[sflag:s14] =	ssyncadd.s32 @!p1 $0xFFFF3800  }
.LBB2_1:
0x22: {  	p1 =	sge.u32 s12, s8  }
0x23: {  	s14 =	sxor.u32 @!p1 $0xFFFFFFFF, s12  }
0x24: {  	s14 =	sand.u32 @!p1 $0x1, s14  }
0x25: {  	s14 =	smul.u32 @!p1 $0x640, s14  }
0x26: {  	s31 =	sadd.s32 $0xFFFFFFFF, s12;
	s15 =	sshrl.u32 @!p1 s11, $0x3  }
0x27: {  	s16 =	sand.u32 @!p1 $0x7, s11;
	s15 =	sadd.s32 @!p1 s5, s15;
	s14 =	sshrl.u32 @!p1 s14, $0x2  }
0x28: {  	[tilespmem:s14], [sflag:$0x2] =	stream.linear.gather @!p1 [hbm4b:s15+s16], $0x190, $0x38;
	[tilespmem:$0x19320] =	vst v63  }
0x29: {  	p1 =	sge.u32 s31, s8  }
.Ltmp2:
0x2a: {  	_ = 	snop;
	(pc) =	sbr.rel @p1 .LBB2_7-.Ltmp2, $1  }
0x2b: {  	_ =	sdelay $0x3  }
0x2c: {  	s14 =	simm.s32 $0x1  }
0x2d: {  	s14 =	simm.s32 @!p0 $0x0  }
0x2e: {  	s15 =	smul.u32 $0x640, s14  }
0x2f: {  	_ =	swait.ge [sflag:s7], $0x190  }
0x30: {  	[sflag:s7] =	ssyncset.done $0x0;
	s16 =	sshrl.u32 s15, $0x2  }
0x31: {  	[sflag:s7] =	ssyncadd.s32 $0xFFFFFE70;
	s15 =	sadd.s32 $0x0, s16  }
0x32: {  	v0 =	vld.msk [tilespmem:s15+$0x0 ss:$0x1], $0xffff;
	_ =	sdelay $0x4  }
0x33: {  	vm2 =	vgt.s32 v0, $0x0  }
0x34: {  	v0 =	vnsel vm2, $0x0, v0  }
0x35: {  	v0 =	vmin.u32 v0, $0x4E1F  }
0x36: {  	v0 =	vshll.u32 v0, $0x4  }
0x37: {  	s14 =	smul.u32 $0x32000, s14;
	_ =	sdelay $0x1  }
0x38: {  	s14 =	sshrl.u32 s14, $0x2  }
0x39: {  	s14 =	sor.u32 $0x320, s14  }
0x3a: {  	[tilespmem:s14], [sflag:$0x1] =	stream.indirect_vreg.gather [hbm:s4], $0x80, v0, vm0, $0x38;
	[tilespmem:$0x19320] =	vst v63  }
0x3b: {  	s17 =	sadd.s32 $0x10, s16;
	s15 =	sadd.s32 $0x400, s14  }
0x3c: {  	[tilespmem:s15], [sflag:$0x1] =	stream.indirect_vreg.gather [hbm:s4], $0x80, v0, vm1, $0x38;
	[tilespmem:$0x19320] =	vst v63  }
0x3d: {  	s18 =	simm.s32 $0x80;
	v0 =	vld.msk [tilespmem:s17+$0x0 ss:$0x1], $0xffff;
	s17 =	smov.u32 s14  }
.LBB2_3:
0x3e: {  	p1 =	sne.s32 s18, $0x600;
	_ =	sdelay $0x4  }
0x3f: {  	vm2 =	vgt.s32 v0, $0x0  }
0x40: {  	v0 =	vnsel vm2, $0x0, v0  }
0x41: {  	v0 =	vmin.u32 v0, $0x4E1F  }
0x42: {  	v0 =	vshll.u32 v0, $0x4;
	_ =	sdelay $0x3  }
.Ltmp3:
0x43: {  	s19 =	sshra.s32 s18, $0x2;
	s17 =	sadd.s32 $0x800, s17;
	(pc) =	sbr.rel @p1 .LBB2_3-.Ltmp3, $4  }
0x44: {  	[tilespmem:s17], [sflag:$0x1] =	stream.indirect_vreg.gather [hbm:s4], $0x80, v0, vm0, $0x38;
	[tilespmem:$0x19320] =	vst v63  }
0x45: {  	s19 =	sadd.s32 s19, s16;
	s20 =	sadd.s32 $0x400, s17  }
0x46: {  	[tilespmem:s20], [sflag:$0x1] =	stream.indirect_vreg.gather [hbm:s4], $0x80, v0, vm1, $0x38;
	[tilespmem:$0x19320] =	vst v63  }
0x47: {  	s18 =	sadd.s32 $0x40, s18;
	v0 =	vld.msk [tilespmem:s19+$0x0 ss:$0x1], $0xffff  }
0x48: {  	_ =	sdelay $0x3  }
0x49: {  	vm2 =	vgt.s32 v0, $0x0  }
0x4a: {  	v0 =	vnsel vm2, $0x0, v0  }
0x4b: {  	v0 =	vmin.u32 v0, $0x4E1F  }
0x4c: {  	v0 =	vshll.u32 v0, $0x4;
	_ =	sdelay $0x3  }
0x4d: {  	s16 =	sadd.s32 $0x800, s17  }
0x4e: {  	[tilespmem:s16], [sflag:$0x1] =	stream.indirect_vreg.gather [hbm:s4], $0x80, v0, vm0, $0x38;
	[tilespmem:$0x19320] =	vst v63  }
0x4f: {  	s16 =	sadd.s32 $0x400, s16  }
0x50: {  	[tilespmem:s16], [sflag:$0x1] =	stream.indirect_vreg.gather [hbm:s4], $0x80, v0, vm1, $0x38;
	[tilespmem:$0x19320] =	vst v63  }
0x51: {  	s13 =	sshll.u32 s13, $0x4;
	_ =	swait.ge [sflag:s6], $0xC800  }
0x52: {  	s13 =	sadd.s32 s13, s9;
	[sflag:s6] =	ssyncset.done $0x0  }
0x53: {  	s17 =	sadd.s32 $0x0, s13;
	s16 =	simm.s32 $0x80;
	[sflag:s6] =	ssyncadd.s32 $0xFFFF3800  }
.LBB2_5:
0x54: {  	[hbm:s17] =	stream.linear.scatter [tilespmem:s14], [sflag:$0x3], $0x400, $0x38;
	[tilespmem:$0x19320] =	vst v63  }
0x55: {  	s17 =	smov.u32 s16;
	s14 =	smov.u32 s15;
	p1 =	sne.s32 s16, $0x1880  }
.Ltmp4:
0x56: {  	s16 =	sadd.s32 $0x80, s16;
	(pc) =	sbr.rel @p1 .LBB2_5-.Ltmp4, $2  }
0x57: {  	_ =	sdelay $0x2  }
0x58: {  	s15 =	sadd.s32 $0x400, s15;
	s17 =	sadd.s32 s17, s13  }
.Ltmp5:
0x59: {  	_ = 	snop;
	(pc) =	sbr.rel .LBB2_6-.Ltmp5, $1  }
0x5a: {  	_ =	sdelay $0x3  }
.LBB2_8:
0x5b: {  	_ =	sfence.sel $0x180000  }
0x5c: {  	s1 =	simm.s32 $0x2;
	[bflag:$0x0] =	sbarrier.arrive $0xFFFF  }
0x5d: {  	s30 =	simm.s32 $0x3;
	[sflag:s1] =	ssyncpa.u1 $0x1  }
0x5e: {  	s31 =	simm.s32 $0x1;
	[sflag:s30] =	ssyncpa.u1 $0x1  }
0x5f: {  	[sflag:s31] =	ssyncpa.u1 $0x1  }
0x60: {  	p0 =	sne.s32 s0, $0x0;
	_ =	strace $0x9000004A  }
0x61: {  	s0 =	sadd.s32 @!p0 $0x100000, s2;
	[bflag:$0x2] =	sbarrier.arrive $0xFFFF  }
0x62: {  	[sflag:s0] =	ssyncadd.tile.s32 @!p0 $0x1;
	_ =	shalt  }
.Lfunc_end2:
_tile_overlayer_lowered:
.L_overlay_start_2:
0x63: {  	(tag) =	ssettag $0x2  }
0x64: {  	s0 =	rddreg [dreg:$0x0];
	s2 =	stileid.u32  }
0x65: {  	s1 =	rddreg [dreg:$0x1];
	p0 =	sne.s32 s2, $0x0  }
0x66: {  	s3 =	rddreg [dreg:$0x2];
	[bflag:$0x3] =	sbarrier.arrive $0xFFFF;
	s2 =	simm.s32 @!p0 $0x1C01  }
0x67: {  	[timem:s3], [sflag:s2] =	dma.local @!p0 [hbm:s0], s1  }
0x68: {  	s0 =	simm.s32 @!p0 $0x1  }
0x69: {  	_ =	swait.ge @!p0 [sflag:s0], s1  }
0x6a: {  	s1 =	ssub.s32 @!p0 $0x0, s1;
	[sflag:s0] =	ssyncset.done @!p0 $0x0  }
0x6b: {  	[sflag:s0] =	ssyncadd.s32 @!p0 s1  }
0x6c: {  	[bflag:$0x3] =	sbarrier.arrive $0xFFFF  }
0x6d: {  	_ =	shalt  }

</sc_bundles>
